<compile_context>
chip_gen: v7x
topology: tpu7x:2x2x1
jax: 0.10.2.dev20260603
libtpu: 0.0.44.dev20260713+nightly
codegen_flags: <defaults>
</compile_context>

<pallas_src>
import functools

import jax
import jax.numpy as jnp
from jax import lax
from jax.experimental import pallas as pl
from jax.experimental.pallas import tpu as pltpu
from jax.experimental.pallas import tpu_sc as plsc

_NC = 2
_NS = 16
_NW = _NC * _NS
_EK = 80
_BLK = 2000
_B = 64


def _sc_mesh():
    return plsc.VectorSubcoreMesh(core_axis_name="c", subcore_axis_name="s",
                                  num_cores=_NC, num_subcores=_NS)


def _zero_1d(ref, n):
    def body(i, c):
        ref[pl.ds(i * 16, 16)] = jnp.zeros((16,), ref.dtype)
        return c
    lax.fori_loop(0, n // 16, body, 0)


def _make_deg(E, N):
    EPW = E // _NW
    CH = EPW // _EK
    ZR = 2000
    NZ = N // ZR

    @functools.partial(
        pl.kernel,
        out_type=jax.ShapeDtypeStruct((_NC * N,), jnp.float32),
        mesh=_sc_mesh(),
        scratch_types=[
            pltpu.VMEM((CH, _EK), jnp.int32),
            pltpu.VMEM((_EK,), jnp.float32),
            pltpu.VMEM((ZR,), jnp.float32),
            pltpu.VMEM_SHARED((N,), jnp.float32),
            pltpu.SemaphoreType.DMA,
            pltpu.SemaphoreType.DMA,
        ],
    )
    def deg_kernel(dst_hbm, deg_hbm, idx_v, ones_v, buf_v, acc_sh, sem0, sem1):
        cid = lax.axis_index("c")
        sid = lax.axis_index("s")
        wid = sid * _NC + cid
        pltpu.sync_copy(dst_hbm.at[wid], idx_v)
        for i in range(_EK // 16):
            ones_v[pl.ds(i * 16, 16)] = jnp.ones((16,), jnp.float32)

        @pl.when(sid < NZ)
        def _():
            _zero_1d(buf_v, ZR)
            pltpu.sync_copy(buf_v, acc_sh.at[pl.ds(sid * ZR, ZR)])

        plsc.subcore_barrier()
        sems = (sem0, sem1)

        def fire(g, p):
            pltpu.async_copy(ones_v, acc_sh.at[idx_v.at[g]], sems[p], add=True)

        def drain(p):
            pltpu.make_async_copy(deg_hbm.at[pl.ds(0, _EK)], ones_v,
                                  sems[p]).wait()

        fire(0, 0)

        def pair(k, c):
            g = 2 * k
            fire(g + 1, 1)
            drain(0)
            fire(g + 2, 0)
            drain(1)
            return c

        lax.fori_loop(0, (CH - 1) // 2, pair, 0)
        drain(0)
        plsc.subcore_barrier()

        @pl.when(sid < NZ)
        def _():
            pltpu.sync_copy(acc_sh.at[pl.ds(sid * ZR, ZR)], buf_v)
            pltpu.sync_copy(buf_v, deg_hbm.at[pl.ds(cid * N + sid * ZR, ZR)])

    return deg_kernel


def _make_scatter(E, N, D):
    EPW = E // _NW
    CH = EPW // _EK
    assert CH % 2 == 1 and CH >= 3
    ZT = 1000
    NZ = N // ZT

    @functools.partial(
        pl.kernel,
        out_type=jax.ShapeDtypeStruct((_NC * N, D), jnp.float32),
        mesh=_sc_mesh(),
        scratch_types=[
            pltpu.VMEM((EPW,), jnp.int32),
            pltpu.VMEM((CH, _EK), jnp.int32),
            pltpu.VMEM((2, _EK, D), jnp.float32),
            pltpu.VMEM_SHARED((N, D), jnp.float32),
            pltpu.SemaphoreType.DMA,
            pltpu.SemaphoreType.DMA,
        ],
    )
    def scat_kernel(src_hbm, dst3_hbm, zero_hbm, y_hbm, out_hbm,
                    sidx_v, didx_v, rows_v, acc_sh, sem0, sem1):
        cid = lax.axis_index("c")
        sid = lax.axis_index("s")
        wid = sid * _NC + cid
        pltpu.sync_copy(src_hbm.at[pl.ds(wid * EPW, EPW)], sidx_v)
        pltpu.sync_copy(dst3_hbm.at[wid], didx_v)

        @pl.when(jnp.logical_and(sid < NZ, cid == 0))
        def _():
            pltpu.sync_copy(y_hbm.at[pl.ds(sid * ZT, ZT)],
                            acc_sh.at[pl.ds(sid * ZT, ZT)])

        @pl.when(jnp.logical_and(sid < NZ, cid != 0))
        def _():
            pltpu.sync_copy(zero_hbm.at[pl.ds(sid * ZT, ZT)],
                            acc_sh.at[pl.ds(sid * ZT, ZT)])

        plsc.subcore_barrier()
        sems = (sem0, sem1)

        def fire(g, p):
            pltpu.async_copy(y_hbm.at[sidx_v.at[pl.ds(g * _EK, _EK)]],
                             rows_v.at[p], sems[p])

        def consume(g, p):
            pltpu.make_async_copy(y_hbm.at[pl.ds(0, _EK)], rows_v.at[p],
                                  sems[p]).wait()
            pltpu.sync_copy(rows_v.at[p], acc_sh.at[didx_v.at[g]], add=True)

        fire(0, 0)

        def pair(k, c):
            g = 2 * k
            fire(g + 1, 1)
            consume(g, 0)
            fire(g + 2, 0)
            consume(g + 1, 1)
            return c

        lax.fori_loop(0, (CH - 1) // 2, pair, 0)
        consume(CH - 1, 0)
        plsc.subcore_barrier()

        @pl.when(sid < NZ)
        def _():
            r0 = sid * ZT
            pltpu.sync_copy(acc_sh.at[pl.ds(r0, ZT)],
                            out_hbm.at[pl.ds(cid * N + r0, ZT)])

    return scat_kernel


def _mm1(x, W1, degT):
    N, D = x.shape
    H = W1.shape[1]

    def body(x_ref, w_ref, dg_ref, y_ref, dis_ref):
        dis = lax.rsqrt(dg_ref[:, 0:1] + dg_ref[:, 1:2] + 1.0)
        y_ref[...] = dis * jnp.dot(x_ref[...], w_ref[...],
                                   preferred_element_type=jnp.float32)
        dis_ref[...] = dis

    return pl.pallas_call(
        body,
        grid=(N // _BLK,),
        in_specs=[pl.BlockSpec((_BLK, D), lambda i: (i, 0)),
                  pl.BlockSpec((D, H), lambda i: (0, 0)),
                  pl.BlockSpec((_BLK, 2), lambda i: (i, 0))],
        out_specs=[pl.BlockSpec((_BLK, H), lambda i: (i, 0)),
                   pl.BlockSpec((_BLK, 1), lambda i: (i, 0))],
        out_shape=[jax.ShapeDtypeStruct((N, H), jnp.float32),
                   jax.ShapeDtypeStruct((N, 1), jnp.float32)],
    )(x, W1, degT)


def _mm2(s1, dis, b1, W2):
    N2, H = s1.shape
    N = N2 // 2
    nb = N // _BLK

    def body(pa_ref, pb_ref, dis_ref, b_ref, w_ref, o_ref):
        d = dis_ref[...]
        h = d * (pa_ref[...] + pb_ref[...]) + b_ref[...]
        h = jnp.maximum(h, 0.0)
        o_ref[...] = d * jnp.dot(h, w_ref[...],
                                 preferred_element_type=jnp.float32)

    return pl.pallas_call(
        body,
        grid=(nb,),
        in_specs=[pl.BlockSpec((_BLK, H), lambda i: (i, 0)),
                  pl.BlockSpec((_BLK, H), lambda i: (i + nb, 0)),
                  pl.BlockSpec((_BLK, 1), lambda i: (i, 0)),
                  pl.BlockSpec((1, H), lambda i: (0, 0)),
                  pl.BlockSpec((H, H), lambda i: (0, 0))],
        out_specs=pl.BlockSpec((_BLK, H), lambda i: (i, 0)),
        out_shape=jax.ShapeDtypeStruct((N, H), jnp.float32),
    )(s1, s1, dis, b1, W2)


def _mm3(s2, dis, b2, Wpad, batch2, blin2, C):
    N2, H = s2.shape
    N = N2 // 2
    nb = N // _BLK

    def body(qa_ref, qb_ref, dis_ref, b_ref, w_ref, bat_ref, bl_ref,
             o_ref, acc_ref):
        i = pl.program_id(0)
        d = dis_ref[...]
        h = d * (qa_ref[...] + qb_ref[...]) + b_ref[...]
        z = jnp.dot(h, w_ref[...], preferred_element_type=jnp.float32)
        z = z + (lax.broadcasted_iota(jnp.int32, (1, H), 1) == C
                 ).astype(jnp.float32)
        bm = (bat_ref[...] == lax.broadcasted_iota(jnp.int32, (_BLK, _B), 1)
              ).astype(jnp.float32)
        part = lax.dot_general(bm, z, (((0,), (0,)), ((), ())),
                               preferred_element_type=jnp.float32)

        @pl.when(i == 0)
        def _():
            acc_ref[...] = part

        @pl.when(i > 0)
        def _():
            acc_ref[...] = acc_ref[...] + part

        @pl.when(i == nb - 1)
        def _():
            cnt = jnp.maximum(acc_ref[:, C:C + 1], 1.0)
            o_ref[...] = acc_ref[:, :C] / cnt + bl_ref[...]

    return pl.pallas_call(
        body,
        grid=(nb,),
        in_specs=[pl.BlockSpec((_BLK, H), lambda i: (i, 0)),
                  pl.BlockSpec((_BLK, H), lambda i: (i + nb, 0)),
                  pl.BlockSpec((_BLK, 1), lambda i: (i, 0)),
                  pl.BlockSpec((1, H), lambda i: (0, 0)),
                  pl.BlockSpec((H, H), lambda i: (0, 0)),
                  pl.BlockSpec((_BLK, 1), lambda i: (i, 0)),
                  pl.BlockSpec((1, C), lambda i: (0, 0))],
        out_specs=pl.BlockSpec((_B, C), lambda i: (0, 0)),
        out_shape=jax.ShapeDtypeStruct((_B, C), jnp.float32),
        scratch_shapes=[pltpu.VMEM((_B, H), jnp.float32)],
    )(s2, s2, dis, b2, Wpad, batch2, blin2)


def kernel(x, edge_index, batch, W1, b1, W2, b2, Wlin, blin):
    N, D = x.shape
    E = edge_index.shape[1]
    H = W1.shape[1]
    C = Wlin.shape[1]
    assert N % _BLK == 0 and E % (_NW * _EK) == 0 and D == H and C < H

    CH = E // (_NW * _EK)
    src = edge_index[0]
    dst = edge_index[1]
    dst3 = dst.reshape(_NW, CH, _EK)
    zeros = jnp.zeros((N, D), jnp.float32)

    deg_fn = _make_deg(E, N)
    scat_fn = _make_scatter(E, N, D)

    deg2 = deg_fn(dst3).reshape(_NC, N).T
    y1, dis = _mm1(x, W1, deg2)
    s1 = scat_fn(src, dst3, zeros, y1)
    y2 = _mm2(s1, dis, b1.reshape(1, H), W2)
    s2 = scat_fn(src, dst3, zeros, y2)
    out = _mm3(s2, dis, b2.reshape(1, H), jnp.pad(Wlin, ((0, 0), (0, H - C))),
               batch.reshape(N, 1), blin.reshape(1, C), C)
    return out

# --- scband reference (transcript-rebuilt; emitter-appended) ---
"""Pipeline reference for scband-gcn-4045859193302 (READ-ONLY COPY).

The authoritative reference and input builder live on the scoring server;
editing this copy changes nothing except your own understanding.
"""

import jax, jax.numpy as jnp
import numpy as np

N = 10000
E = 320000
D = 128
H = 128
C = 40
B = 64


def setup_inputs(seed: int = 0) -> dict:
    key = jax.random.key(seed)
    ks = jax.random.split(key, 10)
    x = jax.random.normal(ks[0], (N, D), dtype=jnp.float32)
    edge_index = jax.random.randint(ks[1], (2, E), 0, N, dtype=jnp.int32)
    batch = jnp.sort(jax.random.randint(ks[2], (N,), 0, B, dtype=jnp.int32))
    W1 = jax.random.normal(ks[3], (D, H), dtype=jnp.float32) * 0.05
    b1 = jnp.zeros((H,), dtype=jnp.float32)
    W2 = jax.random.normal(ks[4], (H, H), dtype=jnp.float32) * 0.05
    b2 = jnp.zeros((H,), dtype=jnp.float32)
    Wlin = jax.random.normal(ks[5], (H, C), dtype=jnp.float32) * 0.05
    blin = jnp.zeros((C,), dtype=jnp.float32)
    return {"x": x, "edge_index": edge_index, "batch": batch,
            "W1": W1, "b1": b1, "W2": W2, "b2": b2, "Wlin": Wlin, "blin": blin}


def gcn_conv(x, edge_index, W, b):
    # PyG GCNConv: add self loops, symmetric normalization D^-1/2 (A+I) D^-1/2, then linear
    num_nodes = x.shape[0]
    src = edge_index[0]
    dst = edge_index[1]
    loop = jnp.arange(num_nodes, dtype=src.dtype)
    src = jnp.concatenate([src, loop])
    dst = jnp.concatenate([dst, loop])
    xw = x @ W
    deg = jnp.zeros((num_nodes,), dtype=xw.dtype).at[dst].add(1.0)
    deg_inv_sqrt = jnp.where(deg > 0, 1.0 / jnp.sqrt(deg), 0.0)
    norm = deg_inv_sqrt[src] * deg_inv_sqrt[dst]
    msg = xw[src] * norm[:, None]
    out = jnp.zeros((num_nodes, xw.shape[1]), dtype=xw.dtype).at[dst].add(msg)
    return out + b


def global_mean_pool(x, batch, num_graphs):
    sums = jax.ops.segment_sum(x, batch, num_segments=num_graphs)
    counts = jax.ops.segment_sum(jnp.ones((x.shape[0],), dtype=x.dtype), batch, num_segments=num_graphs)
    return sums / jnp.clip(counts, 1.0)[:, None]


def reference(x, edge_index, batch, W1, b1, W2, b2, Wlin, blin):
    h = gcn_conv(x, edge_index, W1, b1)
    h = jax.nn.relu(h)
    h = gcn_conv(h, edge_index, W2, b2)
    h = global_mean_pool(h, batch, B)
    out = h @ Wlin + blin
    return out

if __name__ == "__main__":
    import jax
    _d = setup_inputs()
    print(jax.jit(kernel)(*tuple(_d.values())))

</pallas_src>

<mosaic_0001>
#map = affine_map<(d0, d1) -> (0)>
#map1 = affine_map<(d0, d1) -> (0, 0, 0)>
#map2 = affine_map<(d0, d1) -> (0, 0)>
module attributes {stable_mosaic.version = 14 : i64} {
  func.func @scat_kernel(%arg0: i32, %arg1: i32, %arg2: memref<320000xi32, #tpu.memory_space<hbm>>, %arg3: memref<32x125x80xi32, #tpu.memory_space<hbm>>, %arg4: memref<10000x128xf32, #tpu.memory_space<hbm>>, %arg5: memref<10000x128xf32, #tpu.memory_space<hbm>>, %arg6: memref<20000x128xf32, #tpu.memory_space<hbm>>, %arg7: memref<10000xi32, #tpu.memory_space<vmem>>, %arg8: memref<125x80xi32, #tpu.memory_space<vmem>>, %arg9: memref<2x80x128xf32, #tpu.memory_space<vmem>>, %arg10: memref<10000x128xf32, #tpu.memory_space<vmem_shared>>, %arg11: memref<!tpu.dma_semaphore, #tpu.memory_space<semaphore_mem>>, %arg12: memref<!tpu.dma_semaphore, #tpu.memory_space<semaphore_mem>>) attributes {dimension_semantics = [#tpu.dimension_semantics<core_parallel>, #tpu.dimension_semantics<subcore_parallel>], iteration_bounds = array<i64: 2, 16>, scalar_prefetch = 0 : i64, scratch_operands = 6 : i64, tpu.core_type = #tpu.core_type<sc_vector_subcore>, window_params = [{transform_indices = #map}, {transform_indices = #map1}, {transform_indices = #map2}, {transform_indices = #map2}, {transform_indices = #map2}]} {
    %mul3A = arith.constant 2 : i32
    %mul3A_0 = arith.muli %arg1, %mul3A : i32
    %add3A = arith.addi %mul3A_0, %arg0 : i32
    %mul3A_1 = arith.constant 10000 : i32
    %mul3A_2 = arith.muli %add3A, %mul3A_1 : i32
    "tpu.region"() ({
      %run_scoped3A_48 = tpu.sem_alloc : memref<!tpu.dma_semaphore, #tpu.memory_space<semaphore_mem>>
      %dma_start3A_49 = tpu.memref_slice %arg2[%mul3A_2] : memref<320000xi32, #tpu.memory_space<hbm>> -> memref<10000xi32, #tpu.memory_space<hbm>>
      %dma_start3A_50 = tpu.memref_slice %arg2[%mul3A_2] : memref<320000xi32, #tpu.memory_space<hbm>> -> memref<10000xi32, #tpu.memory_space<hbm>>
      tpu.enqueue_dma source(%dma_start3A_50 : memref<10000xi32, #tpu.memory_space<hbm>>) target(%arg7 : memref<10000xi32, #tpu.memory_space<vmem>>) target_semaphore(%run_scoped3A_48 : memref<!tpu.dma_semaphore, #tpu.memory_space<semaphore_mem>>)
      %dma_wait3A_51 = tpu.memref_slice %arg2[%mul3A_2] : memref<320000xi32, #tpu.memory_space<hbm>> -> memref<10000xi32, #tpu.memory_space<hbm>>
      %dma_wait3A_52 = tpu.memref_slice %arg2[%mul3A_2] : memref<320000xi32, #tpu.memory_space<hbm>> -> memref<10000xi32, #tpu.memory_space<hbm>>
      tpu.wait_dma2 semaphore(%run_scoped3A_48 : memref<!tpu.dma_semaphore, #tpu.memory_space<semaphore_mem>>) src(%dma_wait3A_52 : memref<10000xi32, #tpu.memory_space<hbm>>) dst(%arg7 : memref<10000xi32, #tpu.memory_space<vmem>>)
      tpu.yield
    }) : () -> ()
    "tpu.region"() ({
      %run_scoped3A_48 = tpu.sem_alloc : memref<!tpu.dma_semaphore, #tpu.memory_space<semaphore_mem>>
      %dma_start3A_49 = arith.constant 0 : i32
      %dma_start3A_50 = arith.constant 0 : i32
      %dma_start3A_51 = tpu.memref_slice %arg3[%add3A, %dma_start3A_49, %dma_start3A_50] : memref<32x125x80xi32, #tpu.memory_space<hbm>> -> memref<1x125x80xi32, #tpu.memory_space<hbm>>
      %dma_start3A_52 = tpu.memref_squeeze %dma_start3A_51 : memref<1x125x80xi32, #tpu.memory_space<hbm>> -> memref<125x80xi32, #tpu.memory_space<hbm>>
      %dma_start3A_53 = arith.constant 0 : i32
      %dma_start3A_54 = arith.constant 0 : i32
      %dma_start3A_55 = tpu.memref_slice %arg3[%add3A, %dma_start3A_53, %dma_start3A_54] : memref<32x125x80xi32, #tpu.memory_space<hbm>> -> memref<1x125x80xi32, #tpu.memory_space<hbm>>
      %dma_start3A_56 = tpu.memref_squeeze %dma_start3A_55 : memref<1x125x80xi32, #tpu.memory_space<hbm>> -> memref<125x80xi32, #tpu.memory_space<hbm>>
      tpu.enqueue_dma source(%dma_start3A_56 : memref<125x80xi32, #tpu.memory_space<hbm>>) target(%arg8 : memref<125x80xi32, #tpu.memory_space<vmem>>) target_semaphore(%run_scoped3A_48 : memref<!tpu.dma_semaphore, #tpu.memory_space<semaphore_mem>>)
      %dma_wait3A_57 = arith.constant 0 : i32
      %dma_wait3A_58 = arith.constant 0 : i32
      %dma_wait3A_59 = tpu.memref_slice %arg3[%add3A, %dma_wait3A_57, %dma_wait3A_58] : memref<32x125x80xi32, #tpu.memory_space<hbm>> -> memref<1x125x80xi32, #tpu.memory_space<hbm>>
      %dma_wait3A_60 = tpu.memref_squeeze %dma_wait3A_59 : memref<1x125x80xi32, #tpu.memory_space<hbm>> -> memref<125x80xi32, #tpu.memory_space<hbm>>
      %dma_wait3A_61 = arith.constant 0 : i32
      %dma_wait3A_62 = arith.constant 0 : i32
      %dma_wait3A_63 = tpu.memref_slice %arg3[%add3A, %dma_wait3A_61, %dma_wait3A_62] : memref<32x125x80xi32, #tpu.memory_space<hbm>> -> memref<1x125x80xi32, #tpu.memory_space<hbm>>
      %dma_wait3A_64 = tpu.memref_squeeze %dma_wait3A_63 : memref<1x125x80xi32, #tpu.memory_space<hbm>> -> memref<125x80xi32, #tpu.memory_space<hbm>>
      tpu.wait_dma2 semaphore(%run_scoped3A_48 : memref<!tpu.dma_semaphore, #tpu.memory_space<semaphore_mem>>) src(%dma_wait3A_64 : memref<125x80xi32, #tpu.memory_space<hbm>>) dst(%arg8 : memref<125x80xi32, #tpu.memory_space<vmem>>)
      tpu.yield
    }) : () -> ()
    %lt3A = arith.constant 10 : i32
    %lt3A_3 = arith.cmpi slt, %arg1, %lt3A : i32
    %eq3A = arith.constant 0 : i32
    %eq3A_4 = arith.cmpi eq, %arg0, %eq3A : i32
    %and3A = arith.andi %lt3A_3, %eq3A_4 : i1
    %convert_element_type3A = arith.extui %and3A : i1 to i32
    %cond3A = arith.constant 0 : i32
    %cond3A_5 = arith.cmpi ne, %convert_element_type3A, %cond3A : i32
    scf.if %cond3A_5 {
      %mul3A_48 = arith.constant 1000 : i32
      %mul3A_49 = arith.muli %arg1, %mul3A_48 : i32
      %mul3A_50 = arith.constant 1000 : i32
      %mul3A_51 = arith.muli %arg1, %mul3A_50 : i32
      "tpu.region"() ({
        %run_scoped3A_52 = tpu.sem_alloc : memref<!tpu.dma_semaphore, #tpu.memory_space<semaphore_mem>>
        %dma_start3A_53 = arith.constant 0 : i32
        %dma_start3A_54 = tpu.memref_slice %arg10[%mul3A_51, %dma_start3A_53] : memref<10000x128xf32, #tpu.memory_space<vmem_shared>> -> memref<1000x128xf32, #tpu.memory_space<vmem_shared>>
        %dma_start3A_55 = arith.constant 0 : i32
        %dma_start3A_56 = tpu.memref_slice %arg5[%mul3A_49, %dma_start3A_55] : memref<10000x128xf32, #tpu.memory_space<hbm>> -> memref<1000x128xf32, #tpu.memory_space<hbm>>
        tpu.enqueue_dma source(%dma_start3A_56 : memref<1000x128xf32, #tpu.memory_space<hbm>>) target(%dma_start3A_54 : memref<1000x128xf32, #tpu.memory_space<vmem_shared>>) target_semaphore(%run_scoped3A_52 : memref<!tpu.dma_semaphore, #tpu.memory_space<semaphore_mem>>)
        %dma_wait3A_57 = arith.constant 0 : i32
        %dma_wait3A_58 = tpu.memref_slice %arg10[%mul3A_51, %dma_wait3A_57] : memref<10000x128xf32, #tpu.memory_space<vmem_shared>> -> memref<1000x128xf32, #tpu.memory_space<vmem_shared>>
        %dma_wait3A_59 = arith.constant 0 : i32
        %dma_wait3A_60 = tpu.memref_slice %arg5[%mul3A_49, %dma_wait3A_59] : memref<10000x128xf32, #tpu.memory_space<hbm>> -> memref<1000x128xf32, #tpu.memory_space<hbm>>
        tpu.wait_dma2 semaphore(%run_scoped3A_52 : memref<!tpu.dma_semaphore, #tpu.memory_space<semaphore_mem>>) src(%dma_wait3A_60 : memref<1000x128xf32, #tpu.memory_space<hbm>>) dst(%dma_wait3A_58 : memref<1000x128xf32, #tpu.memory_space<vmem_shared>>)
        tpu.yield
      }) : () -> ()
    } else {
    }
    %lt3A_6 = arith.constant 10 : i32
    %lt3A_7 = arith.cmpi slt, %arg1, %lt3A_6 : i32
    %ne3A = arith.constant 0 : i32
    %ne3A_8 = arith.cmpi ne, %arg0, %ne3A : i32
    %and3A_9 = arith.andi %lt3A_7, %ne3A_8 : i1
    %convert_element_type3A_10 = arith.extui %and3A_9 : i1 to i32
    %cond3A_11 = arith.constant 0 : i32
    %cond3A_12 = arith.cmpi ne, %convert_element_type3A_10, %cond3A_11 : i32
    scf.if %cond3A_12 {
      %mul3A_48 = arith.constant 1000 : i32
      %mul3A_49 = arith.muli %arg1, %mul3A_48 : i32
      %mul3A_50 = arith.constant 1000 : i32
      %mul3A_51 = arith.muli %arg1, %mul3A_50 : i32
      "tpu.region"() ({
        %run_scoped3A_52 = tpu.sem_alloc : memref<!tpu.dma_semaphore, #tpu.memory_space<semaphore_mem>>
        %dma_start3A_53 = arith.constant 0 : i32
        %dma_start3A_54 = tpu.memref_slice %arg10[%mul3A_51, %dma_start3A_53] : memref<10000x128xf32, #tpu.memory_space<vmem_shared>> -> memref<1000x128xf32, #tpu.memory_space<vmem_shared>>
        %dma_start3A_55 = arith.constant 0 : i32
        %dma_start3A_56 = tpu.memref_slice %arg4[%mul3A_49, %dma_start3A_55] : memref<10000x128xf32, #tpu.memory_space<hbm>> -> memref<1000x128xf32, #tpu.memory_space<hbm>>
        tpu.enqueue_dma source(%dma_start3A_56 : memref<1000x128xf32, #tpu.memory_space<hbm>>) target(%dma_start3A_54 : memref<1000x128xf32, #tpu.memory_space<vmem_shared>>) target_semaphore(%run_scoped3A_52 : memref<!tpu.dma_semaphore, #tpu.memory_space<semaphore_mem>>)
        %dma_wait3A_57 = arith.constant 0 : i32
        %dma_wait3A_58 = tpu.memref_slice %arg10[%mul3A_51, %dma_wait3A_57] : memref<10000x128xf32, #tpu.memory_space<vmem_shared>> -> memref<1000x128xf32, #tpu.memory_space<vmem_shared>>
        %dma_wait3A_59 = arith.constant 0 : i32
        %dma_wait3A_60 = tpu.memref_slice %arg4[%mul3A_49, %dma_wait3A_59] : memref<10000x128xf32, #tpu.memory_space<hbm>> -> memref<1000x128xf32, #tpu.memory_space<hbm>>
        tpu.wait_dma2 semaphore(%run_scoped3A_52 : memref<!tpu.dma_semaphore, #tpu.memory_space<semaphore_mem>>) src(%dma_wait3A_60 : memref<1000x128xf32, #tpu.memory_space<hbm>>) dst(%dma_wait3A_58 : memref<1000x128xf32, #tpu.memory_space<vmem_shared>>)
        tpu.yield
      }) : () -> ()
    } else {
    }
    %barrier3A = arith.constant 0 : index
    tpu.barrier barrier_id(%barrier3A)
    %dma_start3A = arith.constant 0 : i32
    %dma_start3A_13 = arith.constant 0 : i32
    %dma_start3A_14 = arith.constant 0 : i32
    %dma_start3A_15 = tpu.memref_slice %arg9[%dma_start3A, %dma_start3A_13, %dma_start3A_14] : memref<2x80x128xf32, #tpu.memory_space<vmem>> -> memref<1x80x128xf32, #tpu.memory_space<vmem>>
    %dma_start3A_16 = tpu.memref_squeeze %dma_start3A_15 : memref<1x80x128xf32, #tpu.memory_space<vmem>> -> memref<80x128xf32, #tpu.memory_space<vmem>>
    %dma_start3A_17 = arith.constant 0 : i32
    %dma_start3A_18 = tpu.memref_slice %arg7[%dma_start3A_17] : memref<10000xi32, #tpu.memory_space<vmem>> -> memref<80xi32, #tpu.memory_space<vmem>>
    %dma_start3A_19 = arith.constant 0 : i32
    %dma_start3A_20 = arith.constant 0 : i32
    %dma_start3A_21 = tpu.memref_slice %arg5[%dma_start3A_19, %dma_start3A_20] : memref<10000x128xf32, #tpu.memory_space<hbm>> -> memref<10000x128xf32, #tpu.memory_space<hbm>>
    tpu.enqueue_indirect_dma source(%dma_start3A_21 : memref<10000x128xf32, #tpu.memory_space<hbm>>) target(%dma_start3A_16 : memref<80x128xf32, #tpu.memory_space<vmem>>) offsets(%dma_start3A_18 : memref<80xi32, #tpu.memory_space<vmem>>) semaphore(%arg11 : memref<!tpu.dma_semaphore, #tpu.memory_space<semaphore_mem>>)
    %scan3A = arith.constant 0 : i32
    %scan3A_22 = arith.constant 0 : i32
    %scan3A_23 = arith.constant 62 : i32
    %scan3A_24 = arith.addi %scan3A_22, %scan3A_23 : i32
    %scan3A_25 = arith.constant 1 : i32
    scf.for %scan3A_48 = %scan3A_22 to %scan3A_24 step %scan3A_25  : i32 {
      %mul3A_49 = arith.constant 2 : i32
      %mul3A_50 = arith.muli %mul3A_49, %scan3A_48 : i32
      %add3A_51 = arith.constant 1 : i32
      %add3A_52 = arith.addi %mul3A_50, %add3A_51 : i32
      %mul3A_53 = arith.constant 80 : i32
      %mul3A_54 = arith.muli %add3A_52, %mul3A_53 : i32
      %dma_start3A_55 = arith.constant 1 : i32
      %dma_start3A_56 = arith.constant 0 : i32
      %dma_start3A_57 = arith.constant 0 : i32
      %dma_start3A_58 = tpu.memref_slice %arg9[%dma_start3A_55, %dma_start3A_56, %dma_start3A_57] : memref<2x80x128xf32, #tpu.memory_space<vmem>> -> memref<1x80x128xf32, #tpu.memory_space<vmem>>
      %dma_start3A_59 = tpu.memref_squeeze %dma_start3A_58 : memref<1x80x128xf32, #tpu.memory_space<vmem>> -> memref<80x128xf32, #tpu.memory_space<vmem>>
      %dma_start3A_60 = tpu.memref_slice %arg7[%mul3A_54] : memref<10000xi32, #tpu.memory_space<vmem>> -> memref<80xi32, #tpu.memory_space<vmem>>
      %dma_start3A_61 = arith.constant 0 : i32
      %dma_start3A_62 = arith.constant 0 : i32
      %dma_start3A_63 = tpu.memref_slice %arg5[%dma_start3A_61, %dma_start3A_62] : memref<10000x128xf32, #tpu.memory_space<hbm>> -> memref<10000x128xf32, #tpu.memory_space<hbm>>
      tpu.enqueue_indirect_dma source(%dma_start3A_63 : memref<10000x128xf32, #tpu.memory_space<hbm>>) target(%dma_start3A_59 : memref<80x128xf32, #tpu.memory_space<vmem>>) offsets(%dma_start3A_60 : memref<80xi32, #tpu.memory_space<vmem>>) semaphore(%arg12 : memref<!tpu.dma_semaphore, #tpu.memory_space<semaphore_mem>>)
      %dma_wait3A_64 = arith.constant 0 : i32
      %dma_wait3A_65 = arith.constant 0 : i32
      %dma_wait3A_66 = arith.constant 0 : i32
      %dma_wait3A_67 = tpu.memref_slice %arg9[%dma_wait3A_64, %dma_wait3A_65, %dma_wait3A_66] : memref<2x80x128xf32, #tpu.memory_space<vmem>> -> memref<1x80x128xf32, #tpu.memory_space<vmem>>
      %dma_wait3A_68 = tpu.memref_squeeze %dma_wait3A_67 : memref<1x80x128xf32, #tpu.memory_space<vmem>> -> memref<80x128xf32, #tpu.memory_space<vmem>>
      %dma_wait3A_69 = arith.constant 0 : i32
      %dma_wait3A_70 = arith.constant 0 : i32
      %dma_wait3A_71 = tpu.memref_slice %arg5[%dma_wait3A_69, %dma_wait3A_70] : memref<10000x128xf32, #tpu.memory_space<hbm>> -> memref<80x128xf32, #tpu.memory_space<hbm>>
      %dma_wait3A_72 = arith.constant 0 : i32
      %dma_wait3A_73 = arith.constant 0 : i32
      %dma_wait3A_74 = tpu.memref_slice %arg9[%dma_wait3A_64, %dma_wait3A_72, %dma_wait3A_73] : memref<2x80x128xf32, #tpu.memory_space<vmem>> -> memref<1x80x128xf32, #tpu.memory_space<vmem>>
      %dma_wait3A_75 = tpu.memref_squeeze %dma_wait3A_74 : memref<1x80x128xf32, #tpu.memory_space<vmem>> -> memref<80x128xf32, #tpu.memory_space<vmem>>
      %dma_wait3A_76 = arith.constant 0 : i32
      %dma_wait3A_77 = arith.constant 0 : i32
      %dma_wait3A_78 = tpu.memref_slice %arg5[%dma_wait3A_76, %dma_wait3A_77] : memref<10000x128xf32, #tpu.memory_space<hbm>> -> memref<80x128xf32, #tpu.memory_space<hbm>>
      tpu.wait_dma2 semaphore(%arg11 : memref<!tpu.dma_semaphore, #tpu.memory_space<semaphore_mem>>) src(%dma_wait3A_78 : memref<80x128xf32, #tpu.memory_space<hbm>>) dst(%dma_wait3A_75 : memref<80x128xf32, #tpu.memory_space<vmem>>)
      %run_scoped3A_79 = arith.constant 0 : i32
      "tpu.region"() ({
        %run_scoped3A_111 = tpu.sem_alloc : memref<!tpu.dma_semaphore, #tpu.memory_space<semaphore_mem>>
        %dma_start3A_112 = arith.constant 0 : i32
        %dma_start3A_113 = arith.constant 0 : i32
        %dma_start3A_114 = tpu.memref_slice %arg9[%run_scoped3A_79, %dma_start3A_112, %dma_start3A_113] : memref<2x80x128xf32, #tpu.memory_space<vmem>> -> memref<1x80x128xf32, #tpu.memory_space<vmem>>
        %dma_start3A_115 = tpu.memref_squeeze %dma_start3A_114 : memref<1x80x128xf32, #tpu.memory_space<vmem>> -> memref<80x128xf32, #tpu.memory_space<vmem>>
        %dma_start3A_116 = arith.constant 0 : i32
        %dma_start3A_117 = tpu.memref_slice %arg8[%mul3A_50, %dma_start3A_116] : memref<125x80xi32, #tpu.memory_space<vmem>> -> memref<1x80xi32, #tpu.memory_space<vmem>>
        %dma_start3A_118 = tpu.memref_squeeze %dma_start3A_117 : memref<1x80xi32, #tpu.memory_space<vmem>> -> memref<80xi32, #tpu.memory_space<vmem>>
        %dma_start3A_119 = arith.constant 0 : i32
        %dma_start3A_120 = arith.constant 0 : i32
        %dma_start3A_121 = tpu.memref_slice %arg10[%dma_start3A_119, %dma_start3A_120] : memref<10000x128xf32, #tpu.memory_space<vmem_shared>> -> memref<10000x128xf32, #tpu.memory_space<vmem_shared>>
        tpu.enqueue_indirect_dma source(%dma_start3A_115 : memref<80x128xf32, #tpu.memory_space<vmem>>) target(%dma_start3A_121 : memref<10000x128xf32, #tpu.memory_space<vmem_shared>>) offsets(%dma_start3A_118 : memref<80xi32, #tpu.memory_space<vmem>>) semaphore(%run_scoped3A_111 : memref<!tpu.dma_semaphore, #tpu.memory_space<semaphore_mem>>) {add = true}
        %dma_wait3A_122 = arith.constant 0 : i32
        %dma_wait3A_123 = arith.constant 0 : i32
        %dma_wait3A_124 = tpu.memref_slice %arg9[%run_scoped3A_79, %dma_wait3A_122, %dma_wait3A_123] : memref<2x80x128xf32, #tpu.memory_space<vmem>> -> memref<1x80x128xf32, #tpu.memory_space<vmem>>
        %dma_wait3A_125 = tpu.memref_squeeze %dma_wait3A_124 : memref<1x80x128xf32, #tpu.memory_space<vmem>> -> memref<80x128xf32, #tpu.memory_space<vmem>>
        %dma_wait3A_126 = arith.constant 0 : i32
        %dma_wait3A_127 = tpu.memref_slice %arg8[%mul3A_50, %dma_wait3A_126] : memref<125x80xi32, #tpu.memory_space<vmem>> -> memref<1x80xi32, #tpu.memory_space<vmem>>
        %dma_wait3A_128 = tpu.memref_squeeze %dma_wait3A_127 : memref<1x80xi32, #tpu.memory_space<vmem>> -> memref<80xi32, #tpu.memory_space<vmem>>
        %dma_wait3A_129 = arith.constant 0 : i32
        %dma_wait3A_130 = arith.constant 0 : i32
        %dma_wait3A_131 = tpu.memref_slice %arg10[%dma_wait3A_129, %dma_wait3A_130] : memref<10000x128xf32, #tpu.memory_space<vmem_shared>> -> memref<10000x128xf32, #tpu.memory_space<vmem_shared>>
        tpu.wait_indirect_dma semaphore(%run_scoped3A_111 : memref<!tpu.dma_semaphore, #tpu.memory_space<semaphore_mem>>) src(%dma_wait3A_125 : memref<80x128xf32, #tpu.memory_space<vmem>>) dst(%dma_wait3A_131 : memref<10000x128xf32, #tpu.memory_space<vmem_shared>>)
        tpu.yield
      }) : () -> ()
      %add3A_80 = arith.constant 2 : i32
      %add3A_81 = arith.addi %mul3A_50, %add3A_80 : i32
      %mul3A_82 = arith.constant 80 : i32
      %mul3A_83 = arith.muli %add3A_81, %mul3A_82 : i32
      %dma_start3A_84 = arith.constant 0 : i32
      %dma_start3A_85 = arith.constant 0 : i32
      %dma_start3A_86 = arith.constant 0 : i32
      %dma_start3A_87 = tpu.memref_slice %arg9[%dma_start3A_84, %dma_start3A_85, %dma_start3A_86] : memref<2x80x128xf32, #tpu.memory_space<vmem>> -> memref<1x80x128xf32, #tpu.memory_space<vmem>>
      %dma_start3A_88 = tpu.memref_squeeze %dma_start3A_87 : memref<1x80x128xf32, #tpu.memory_space<vmem>> -> memref<80x128xf32, #tpu.memory_space<vmem>>
      %dma_start3A_89 = tpu.memref_slice %arg7[%mul3A_83] : memref<10000xi32, #tpu.memory_space<vmem>> -> memref<80xi32, #tpu.memory_space<vmem>>
      %dma_start3A_90 = arith.constant 0 : i32
      %dma_start3A_91 = arith.constant 0 : i32
      %dma_start3A_92 = tpu.memref_slice %arg5[%dma_start3A_90, %dma_start3A_91] : memref<10000x128xf32, #tpu.memory_space<hbm>> -> memref<10000x128xf32, #tpu.memory_space<hbm>>
      tpu.enqueue_indirect_dma source(%dma_start3A_92 : memref<10000x128xf32, #tpu.memory_space<hbm>>) target(%dma_start3A_88 : memref<80x128xf32, #tpu.memory_space<vmem>>) offsets(%dma_start3A_89 : memref<80xi32, #tpu.memory_space<vmem>>) semaphore(%arg11 : memref<!tpu.dma_semaphore, #tpu.memory_space<semaphore_mem>>)
      %add3A_93 = arith.constant 1 : i32
      %add3A_94 = arith.addi %mul3A_50, %add3A_93 : i32
      %dma_wait3A_95 = arith.constant 1 : i32
      %dma_wait3A_96 = arith.constant 0 : i32
      %dma_wait3A_97 = arith.constant 0 : i32
      %dma_wait3A_98 = tpu.memref_slice %arg9[%dma_wait3A_95, %dma_wait3A_96, %dma_wait3A_97] : memref<2x80x128xf32, #tpu.memory_space<vmem>> -> memref<1x80x128xf32, #tpu.memory_space<vmem>>
      %dma_wait3A_99 = tpu.memref_squeeze %dma_wait3A_98 : memref<1x80x128xf32, #tpu.memory_space<vmem>> -> memref<80x128xf32, #tpu.memory_space<vmem>>
      %dma_wait3A_100 = arith.constant 0 : i32
      %dma_wait3A_101 = arith.constant 0 : i32
      %dma_wait3A_102 = tpu.memref_slice %arg5[%dma_wait3A_100, %dma_wait3A_101] : memref<10000x128xf32, #tpu.memory_space<hbm>> -> memref<80x128xf32, #tpu.memory_space<hbm>>
      %dma_wait3A_103 = arith.constant 0 : i32
      %dma_wait3A_104 = arith.constant 0 : i32
      %dma_wait3A_105 = tpu.memref_slice %arg9[%dma_wait3A_95, %dma_wait3A_103, %dma_wait3A_104] : memref<2x80x128xf32, #tpu.memory_space<vmem>> -> memref<1x80x128xf32, #tpu.memory_space<vmem>>
      %dma_wait3A_106 = tpu.memref_squeeze %dma_wait3A_105 : memref<1x80x128xf32, #tpu.memory_space<vmem>> -> memref<80x128xf32, #tpu.memory_space<vmem>>
      %dma_wait3A_107 = arith.constant 0 : i32
      %dma_wait3A_108 = arith.constant 0 : i32
      %dma_wait3A_109 = tpu.memref_slice %arg5[%dma_wait3A_107, %dma_wait3A_108] : memref<10000x128xf32, #tpu.memory_space<hbm>> -> memref<80x128xf32, #tpu.memory_space<hbm>>
      tpu.wait_dma2 semaphore(%arg12 : memref<!tpu.dma_semaphore, #tpu.memory_space<semaphore_mem>>) src(%dma_wait3A_109 : memref<80x128xf32, #tpu.memory_space<hbm>>) dst(%dma_wait3A_106 : memref<80x128xf32, #tpu.memory_space<vmem>>)
      %run_scoped3A_110 = arith.constant 1 : i32
      "tpu.region"() ({
        %run_scoped3A_111 = tpu.sem_alloc : memref<!tpu.dma_semaphore, #tpu.memory_space<semaphore_mem>>
        %dma_start3A_112 = arith.constant 0 : i32
        %dma_start3A_113 = arith.constant 0 : i32
        %dma_start3A_114 = tpu.memref_slice %arg9[%run_scoped3A_110, %dma_start3A_112, %dma_start3A_113] : memref<2x80x128xf32, #tpu.memory_space<vmem>> -> memref<1x80x128xf32, #tpu.memory_space<vmem>>
        %dma_start3A_115 = tpu.memref_squeeze %dma_start3A_114 : memref<1x80x128xf32, #tpu.memory_space<vmem>> -> memref<80x128xf32, #tpu.memory_space<vmem>>
        %dma_start3A_116 = arith.constant 0 : i32
        %dma_start3A_117 = tpu.memref_slice %arg8[%add3A_94, %dma_start3A_116] : memref<125x80xi32, #tpu.memory_space<vmem>> -> memref<1x80xi32, #tpu.memory_space<vmem>>
        %dma_start3A_118 = tpu.memref_squeeze %dma_start3A_117 : memref<1x80xi32, #tpu.memory_space<vmem>> -> memref<80xi32, #tpu.memory_space<vmem>>
        %dma_start3A_119 = arith.constant 0 : i32
        %dma_start3A_120 = arith.constant 0 : i32
        %dma_start3A_121 = tpu.memref_slice %arg10[%dma_start3A_119, %dma_start3A_120] : memref<10000x128xf32, #tpu.memory_space<vmem_shared>> -> memref<10000x128xf32, #tpu.memory_space<vmem_shared>>
        tpu.enqueue_indirect_dma source(%dma_start3A_115 : memref<80x128xf32, #tpu.memory_space<vmem>>) target(%dma_start3A_121 : memref<10000x128xf32, #tpu.memory_space<vmem_shared>>) offsets(%dma_start3A_118 : memref<80xi32, #tpu.memory_space<vmem>>) semaphore(%run_scoped3A_111 : memref<!tpu.dma_semaphore, #tpu.memory_space<semaphore_mem>>) {add = true}
        %dma_wait3A_122 = arith.constant 0 : i32
        %dma_wait3A_123 = arith.constant 0 : i32
        %dma_wait3A_124 = tpu.memref_slice %arg9[%run_scoped3A_110, %dma_wait3A_122, %dma_wait3A_123] : memref<2x80x128xf32, #tpu.memory_space<vmem>> -> memref<1x80x128xf32, #tpu.memory_space<vmem>>
        %dma_wait3A_125 = tpu.memref_squeeze %dma_wait3A_124 : memref<1x80x128xf32, #tpu.memory_space<vmem>> -> memref<80x128xf32, #tpu.memory_space<vmem>>
        %dma_wait3A_126 = arith.constant 0 : i32
        %dma_wait3A_127 = tpu.memref_slice %arg8[%add3A_94, %dma_wait3A_126] : memref<125x80xi32, #tpu.memory_space<vmem>> -> memref<1x80xi32, #tpu.memory_space<vmem>>
        %dma_wait3A_128 = tpu.memref_squeeze %dma_wait3A_127 : memref<1x80xi32, #tpu.memory_space<vmem>> -> memref<80xi32, #tpu.memory_space<vmem>>
        %dma_wait3A_129 = arith.constant 0 : i32
        %dma_wait3A_130 = arith.constant 0 : i32
        %dma_wait3A_131 = tpu.memref_slice %arg10[%dma_wait3A_129, %dma_wait3A_130] : memref<10000x128xf32, #tpu.memory_space<vmem_shared>> -> memref<10000x128xf32, #tpu.memory_space<vmem_shared>>
        tpu.wait_indirect_dma semaphore(%run_scoped3A_111 : memref<!tpu.dma_semaphore, #tpu.memory_space<semaphore_mem>>) src(%dma_wait3A_125 : memref<80x128xf32, #tpu.memory_space<vmem>>) dst(%dma_wait3A_131 : memref<10000x128xf32, #tpu.memory_space<vmem_shared>>)
        tpu.yield
      }) : () -> ()
    }
    %scan3A_26 = arith.constant 62 : i32
    %dma_wait3A = arith.constant 0 : i32
    %dma_wait3A_27 = arith.constant 0 : i32
    %dma_wait3A_28 = arith.constant 0 : i32
    %dma_wait3A_29 = tpu.memref_slice %arg9[%dma_wait3A, %dma_wait3A_27, %dma_wait3A_28] : memref<2x80x128xf32, #tpu.memory_space<vmem>> -> memref<1x80x128xf32, #tpu.memory_space<vmem>>
    %dma_wait3A_30 = tpu.memref_squeeze %dma_wait3A_29 : memref<1x80x128xf32, #tpu.memory_space<vmem>> -> memref<80x128xf32, #tpu.memory_space<vmem>>
    %dma_wait3A_31 = arith.constant 0 : i32
    %dma_wait3A_32 = arith.constant 0 : i32
    %dma_wait3A_33 = tpu.memref_slice %arg5[%dma_wait3A_31, %dma_wait3A_32] : memref<10000x128xf32, #tpu.memory_space<hbm>> -> memref<80x128xf32, #tpu.memory_space<hbm>>
    %dma_wait3A_34 = arith.constant 0 : i32
    %dma_wait3A_35 = arith.constant 0 : i32
    %dma_wait3A_36 = tpu.memref_slice %arg9[%dma_wait3A, %dma_wait3A_34, %dma_wait3A_35] : memref<2x80x128xf32, #tpu.memory_space<vmem>> -> memref<1x80x128xf32, #tpu.memory_space<vmem>>
    %dma_wait3A_37 = tpu.memref_squeeze %dma_wait3A_36 : memref<1x80x128xf32, #tpu.memory_space<vmem>> -> memref<80x128xf32, #tpu.memory_space<vmem>>
    %dma_wait3A_38 = arith.constant 0 : i32
    %dma_wait3A_39 = arith.constant 0 : i32
    %dma_wait3A_40 = tpu.memref_slice %arg5[%dma_wait3A_38, %dma_wait3A_39] : memref<10000x128xf32, #tpu.memory_space<hbm>> -> memref<80x128xf32, #tpu.memory_space<hbm>>
    tpu.wait_dma2 semaphore(%arg11 : memref<!tpu.dma_semaphore, #tpu.memory_space<semaphore_mem>>) src(%dma_wait3A_40 : memref<80x128xf32, #tpu.memory_space<hbm>>) dst(%dma_wait3A_37 : memref<80x128xf32, #tpu.memory_space<vmem>>)
    %run_scoped3A = arith.constant 0 : i32
    %run_scoped3A_41 = arith.constant 124 : i32
    "tpu.region"() ({
      %run_scoped3A_48 = tpu.sem_alloc : memref<!tpu.dma_semaphore, #tpu.memory_space<semaphore_mem>>
      %dma_start3A_49 = arith.constant 0 : i32
      %dma_start3A_50 = arith.constant 0 : i32
      %dma_start3A_51 = tpu.memref_slice %arg9[%run_scoped3A, %dma_start3A_49, %dma_start3A_50] : memref<2x80x128xf32, #tpu.memory_space<vmem>> -> memref<1x80x128xf32, #tpu.memory_space<vmem>>
      %dma_start3A_52 = tpu.memref_squeeze %dma_start3A_51 : memref<1x80x128xf32, #tpu.memory_space<vmem>> -> memref<80x128xf32, #tpu.memory_space<vmem>>
      %dma_start3A_53 = arith.constant 0 : i32
      %dma_start3A_54 = tpu.memref_slice %arg8[%run_scoped3A_41, %dma_start3A_53] : memref<125x80xi32, #tpu.memory_space<vmem>> -> memref<1x80xi32, #tpu.memory_space<vmem>>
      %dma_start3A_55 = tpu.memref_squeeze %dma_start3A_54 : memref<1x80xi32, #tpu.memory_space<vmem>> -> memref<80xi32, #tpu.memory_space<vmem>>
      %dma_start3A_56 = arith.constant 0 : i32
      %dma_start3A_57 = arith.constant 0 : i32
      %dma_start3A_58 = tpu.memref_slice %arg10[%dma_start3A_56, %dma_start3A_57] : memref<10000x128xf32, #tpu.memory_space<vmem_shared>> -> memref<10000x128xf32, #tpu.memory_space<vmem_shared>>
      tpu.enqueue_indirect_dma source(%dma_start3A_52 : memref<80x128xf32, #tpu.memory_space<vmem>>) target(%dma_start3A_58 : memref<10000x128xf32, #tpu.memory_space<vmem_shared>>) offsets(%dma_start3A_55 : memref<80xi32, #tpu.memory_space<vmem>>) semaphore(%run_scoped3A_48 : memref<!tpu.dma_semaphore, #tpu.memory_space<semaphore_mem>>) {add = true}
      %dma_wait3A_59 = arith.constant 0 : i32
      %dma_wait3A_60 = arith.constant 0 : i32
      %dma_wait3A_61 = tpu.memref_slice %arg9[%run_scoped3A, %dma_wait3A_59, %dma_wait3A_60] : memref<2x80x128xf32, #tpu.memory_space<vmem>> -> memref<1x80x128xf32, #tpu.memory_space<vmem>>
      %dma_wait3A_62 = tpu.memref_squeeze %dma_wait3A_61 : memref<1x80x128xf32, #tpu.memory_space<vmem>> -> memref<80x128xf32, #tpu.memory_space<vmem>>
      %dma_wait3A_63 = arith.constant 0 : i32
      %dma_wait3A_64 = tpu.memref_slice %arg8[%run_scoped3A_41, %dma_wait3A_63] : memref<125x80xi32, #tpu.memory_space<vmem>> -> memref<1x80xi32, #tpu.memory_space<vmem>>
      %dma_wait3A_65 = tpu.memref_squeeze %dma_wait3A_64 : memref<1x80xi32, #tpu.memory_space<vmem>> -> memref<80xi32, #tpu.memory_space<vmem>>
      %dma_wait3A_66 = arith.constant 0 : i32
      %dma_wait3A_67 = arith.constant 0 : i32
      %dma_wait3A_68 = tpu.memref_slice %arg10[%dma_wait3A_66, %dma_wait3A_67] : memref<10000x128xf32, #tpu.memory_space<vmem_shared>> -> memref<10000x128xf32, #tpu.memory_space<vmem_shared>>
      tpu.wait_indirect_dma semaphore(%run_scoped3A_48 : memref<!tpu.dma_semaphore, #tpu.memory_space<semaphore_mem>>) src(%dma_wait3A_62 : memref<80x128xf32, #tpu.memory_space<vmem>>) dst(%dma_wait3A_68 : memref<10000x128xf32, #tpu.memory_space<vmem_shared>>)
      tpu.yield
    }) : () -> ()
    %barrier3A_42 = arith.constant 0 : index
    tpu.barrier barrier_id(%barrier3A_42)
    %lt3A_43 = arith.constant 10 : i32
    %lt3A_44 = arith.cmpi slt, %arg1, %lt3A_43 : i32
    %convert_element_type3A_45 = arith.extui %lt3A_44 : i1 to i32
    %cond3A_46 = arith.constant 0 : i32
    %cond3A_47 = arith.cmpi ne, %convert_element_type3A_45, %cond3A_46 : i32
    scf.if %cond3A_47 {
      %mul3A_48 = arith.constant 1000 : i32
      %mul3A_49 = arith.muli %arg1, %mul3A_48 : i32
      %mul3A_50 = arith.constant 10000 : i32
      %mul3A_51 = arith.muli %arg0, %mul3A_50 : i32
      %add3A_52 = arith.addi %mul3A_51, %mul3A_49 : i32
      "tpu.region"() ({
        %run_scoped3A_53 = tpu.sem_alloc : memref<!tpu.dma_semaphore, #tpu.memory_space<semaphore_mem>>
        %dma_start3A_54 = arith.constant 0 : i32
        %dma_start3A_55 = tpu.memref_slice %arg6[%add3A_52, %dma_start3A_54] : memref<20000x128xf32, #tpu.memory_space<hbm>> -> memref<1000x128xf32, #tpu.memory_space<hbm>>
        %dma_start3A_56 = arith.constant 0 : i32
        %dma_start3A_57 = tpu.memref_slice %arg10[%mul3A_49, %dma_start3A_56] : memref<10000x128xf32, #tpu.memory_space<vmem_shared>> -> memref<1000x128xf32, #tpu.memory_space<vmem_shared>>
        tpu.enqueue_dma source(%dma_start3A_57 : memref<1000x128xf32, #tpu.memory_space<vmem_shared>>) target(%dma_start3A_55 : memref<1000x128xf32, #tpu.memory_space<hbm>>) target_semaphore(%run_scoped3A_53 : memref<!tpu.dma_semaphore, #tpu.memory_space<semaphore_mem>>)
        %dma_wait3A_58 = arith.constant 0 : i32
        %dma_wait3A_59 = tpu.memref_slice %arg6[%add3A_52, %dma_wait3A_58] : memref<20000x128xf32, #tpu.memory_space<hbm>> -> memref<1000x128xf32, #tpu.memory_space<hbm>>
        %dma_wait3A_60 = arith.constant 0 : i32
        %dma_wait3A_61 = tpu.memref_slice %arg10[%mul3A_49, %dma_wait3A_60] : memref<10000x128xf32, #tpu.memory_space<vmem_shared>> -> memref<1000x128xf32, #tpu.memory_space<vmem_shared>>
        tpu.wait_dma2 semaphore(%run_scoped3A_53 : memref<!tpu.dma_semaphore, #tpu.memory_space<semaphore_mem>>) src(%dma_wait3A_61 : memref<1000x128xf32, #tpu.memory_space<vmem_shared>>) dst(%dma_wait3A_59 : memref<1000x128xf32, #tpu.memory_space<hbm>>)
        tpu.yield
      }) : () -> ()
    } else {
    }
    return
  }
}

#map = affine_map<(d0, d1) -> (0, 0, 0)>
#map1 = affine_map<(d0, d1) -> (0)>
module attributes {stable_mosaic.version = 14 : i64} {
  func.func @deg_kernel(%arg0: i32, %arg1: i32, %arg2: memref<32x125x80xi32, #tpu.memory_space<hbm>>, %arg3: memref<20000xf32, #tpu.memory_space<hbm>>, %arg4: memref<125x80xi32, #tpu.memory_space<vmem>>, %arg5: memref<80xf32, #tpu.memory_space<vmem>>, %arg6: memref<2000xf32, #tpu.memory_space<vmem>>, %arg7: memref<10000xf32, #tpu.memory_space<vmem_shared>>, %arg8: memref<!tpu.dma_semaphore, #tpu.memory_space<semaphore_mem>>, %arg9: memref<!tpu.dma_semaphore, #tpu.memory_space<semaphore_mem>>) attributes {dimension_semantics = [#tpu.dimension_semantics<core_parallel>, #tpu.dimension_semantics<subcore_parallel>], iteration_bounds = array<i64: 2, 16>, scalar_prefetch = 0 : i64, scratch_operands = 6 : i64, tpu.core_type = #tpu.core_type<sc_vector_subcore>, window_params = [{transform_indices = #map}, {transform_indices = #map1}]} {
    %mul3A = arith.constant 2 : i32
    %mul3A_0 = arith.muli %arg1, %mul3A : i32
    %add3A = arith.addi %mul3A_0, %arg0 : i32
    "tpu.region"() ({
      %run_scoped3A = tpu.sem_alloc : memref<!tpu.dma_semaphore, #tpu.memory_space<semaphore_mem>>
      %dma_start3A_50 = arith.constant 0 : i32
      %dma_start3A_51 = arith.constant 0 : i32
      %dma_start3A_52 = tpu.memref_slice %arg2[%add3A, %dma_start3A_50, %dma_start3A_51] : memref<32x125x80xi32, #tpu.memory_space<hbm>> -> memref<1x125x80xi32, #tpu.memory_space<hbm>>
      %dma_start3A_53 = tpu.memref_squeeze %dma_start3A_52 : memref<1x125x80xi32, #tpu.memory_space<hbm>> -> memref<125x80xi32, #tpu.memory_space<hbm>>
      %dma_start3A_54 = arith.constant 0 : i32
      %dma_start3A_55 = arith.constant 0 : i32
      %dma_start3A_56 = tpu.memref_slice %arg2[%add3A, %dma_start3A_54, %dma_start3A_55] : memref<32x125x80xi32, #tpu.memory_space<hbm>> -> memref<1x125x80xi32, #tpu.memory_space<hbm>>
      %dma_start3A_57 = tpu.memref_squeeze %dma_start3A_56 : memref<1x125x80xi32, #tpu.memory_space<hbm>> -> memref<125x80xi32, #tpu.memory_space<hbm>>
      tpu.enqueue_dma source(%dma_start3A_57 : memref<125x80xi32, #tpu.memory_space<hbm>>) target(%arg4 : memref<125x80xi32, #tpu.memory_space<vmem>>) target_semaphore(%run_scoped3A : memref<!tpu.dma_semaphore, #tpu.memory_space<semaphore_mem>>)
      %dma_wait3A_58 = arith.constant 0 : i32
      %dma_wait3A_59 = arith.constant 0 : i32
      %dma_wait3A_60 = tpu.memref_slice %arg2[%add3A, %dma_wait3A_58, %dma_wait3A_59] : memref<32x125x80xi32, #tpu.memory_space<hbm>> -> memref<1x125x80xi32, #tpu.memory_space<hbm>>
      %dma_wait3A_61 = tpu.memref_squeeze %dma_wait3A_60 : memref<1x125x80xi32, #tpu.memory_space<hbm>> -> memref<125x80xi32, #tpu.memory_space<hbm>>
      %dma_wait3A_62 = arith.constant 0 : i32
      %dma_wait3A_63 = arith.constant 0 : i32
      %dma_wait3A_64 = tpu.memref_slice %arg2[%add3A, %dma_wait3A_62, %dma_wait3A_63] : memref<32x125x80xi32, #tpu.memory_space<hbm>> -> memref<1x125x80xi32, #tpu.memory_space<hbm>>
      %dma_wait3A_65 = tpu.memref_squeeze %dma_wait3A_64 : memref<1x125x80xi32, #tpu.memory_space<hbm>> -> memref<125x80xi32, #tpu.memory_space<hbm>>
      tpu.wait_dma2 semaphore(%run_scoped3A : memref<!tpu.dma_semaphore, #tpu.memory_space<semaphore_mem>>) src(%dma_wait3A_65 : memref<125x80xi32, #tpu.memory_space<hbm>>) dst(%arg4 : memref<125x80xi32, #tpu.memory_space<vmem>>)
      tpu.yield
    }) : () -> ()
    %broadcast_in_dim3A = arith.constant 1.000000e+00 : f32
    %broadcast_in_dim3A_1 = vector.broadcast %broadcast_in_dim3A : f32 to vector<16xf32>
    %swap3A = arith.constant 0 : index
    %swap3A_2 = tpu.vector_load %arg5[%swap3A] {strides = array<i32>} : memref<80xf32, #tpu.memory_space<vmem>>, vector<16xf32>,
    %swap3A_3 = vector.shape_cast %swap3A_2 : vector<16xf32> to vector<16xf32>
    %swap3A_4 = vector.shape_cast %broadcast_in_dim3A_1 : vector<16xf32> to vector<16xf32>
    tpu.vector_store %arg5[%swap3A], %swap3A_4 {strides = array<i32>} : memref<80xf32, #tpu.memory_space<vmem>>, vector<16xf32>,
    %broadcast_in_dim3A_5 = arith.constant 1.000000e+00 : f32
    %broadcast_in_dim3A_6 = vector.broadcast %broadcast_in_dim3A_5 : f32 to vector<16xf32>
    %swap3A_7 = arith.constant 16 : index
    %swap3A_8 = tpu.vector_load %arg5[%swap3A_7] {strides = array<i32>} : memref<80xf32, #tpu.memory_space<vmem>>, vector<16xf32>,
    %swap3A_9 = vector.shape_cast %swap3A_8 : vector<16xf32> to vector<16xf32>
    %swap3A_10 = vector.shape_cast %broadcast_in_dim3A_6 : vector<16xf32> to vector<16xf32>
    tpu.vector_store %arg5[%swap3A_7], %swap3A_10 {strides = array<i32>} : memref<80xf32, #tpu.memory_space<vmem>>, vector<16xf32>,
    %broadcast_in_dim3A_11 = arith.constant 1.000000e+00 : f32
    %broadcast_in_dim3A_12 = vector.broadcast %broadcast_in_dim3A_11 : f32 to vector<16xf32>
    %swap3A_13 = arith.constant 32 : index
    %swap3A_14 = tpu.vector_load %arg5[%swap3A_13] {strides = array<i32>} : memref<80xf32, #tpu.memory_space<vmem>>, vector<16xf32>,
    %swap3A_15 = vector.shape_cast %swap3A_14 : vector<16xf32> to vector<16xf32>
    %swap3A_16 = vector.shape_cast %broadcast_in_dim3A_12 : vector<16xf32> to vector<16xf32>
    tpu.vector_store %arg5[%swap3A_13], %swap3A_16 {strides = array<i32>} : memref<80xf32, #tpu.memory_space<vmem>>, vector<16xf32>,
    %broadcast_in_dim3A_17 = arith.constant 1.000000e+00 : f32
    %broadcast_in_dim3A_18 = vector.broadcast %broadcast_in_dim3A_17 : f32 to vector<16xf32>
    %swap3A_19 = arith.constant 48 : index
    %swap3A_20 = tpu.vector_load %arg5[%swap3A_19] {strides = array<i32>} : memref<80xf32, #tpu.memory_space<vmem>>, vector<16xf32>,
    %swap3A_21 = vector.shape_cast %swap3A_20 : vector<16xf32> to vector<16xf32>
    %swap3A_22 = vector.shape_cast %broadcast_in_dim3A_18 : vector<16xf32> to vector<16xf32>
    tpu.vector_store %arg5[%swap3A_19], %swap3A_22 {strides = array<i32>} : memref<80xf32, #tpu.memory_space<vmem>>, vector<16xf32>,
    %broadcast_in_dim3A_23 = arith.constant 1.000000e+00 : f32
    %broadcast_in_dim3A_24 = vector.broadcast %broadcast_in_dim3A_23 : f32 to vector<16xf32>
    %swap3A_25 = arith.constant 64 : index
    %swap3A_26 = tpu.vector_load %arg5[%swap3A_25] {strides = array<i32>} : memref<80xf32, #tpu.memory_space<vmem>>, vector<16xf32>,
    %swap3A_27 = vector.shape_cast %swap3A_26 : vector<16xf32> to vector<16xf32>
    %swap3A_28 = vector.shape_cast %broadcast_in_dim3A_24 : vector<16xf32> to vector<16xf32>
    tpu.vector_store %arg5[%swap3A_25], %swap3A_28 {strides = array<i32>} : memref<80xf32, #tpu.memory_space<vmem>>, vector<16xf32>,
    %lt3A = arith.constant 5 : i32
    %lt3A_29 = arith.cmpi slt, %arg1, %lt3A : i32
    %convert_element_type3A = arith.extui %lt3A_29 : i1 to i32
    %cond3A = arith.constant 0 : i32
    %cond3A_30 = arith.cmpi ne, %convert_element_type3A, %cond3A : i32
    scf.if %cond3A_30 {
      %scan3A_50 = arith.constant 0 : i32
      %scan3A_51 = arith.constant 0 : i32
      %scan3A_52 = arith.constant 125 : i32
      %scan3A_53 = arith.addi %scan3A_51, %scan3A_52 : i32
      %scan3A_54 = arith.constant 1 : i32
      scf.for %scan3A_58 = %scan3A_51 to %scan3A_53 step %scan3A_54  : i32 {
        %broadcast_in_dim3A_59 = arith.constant 0.000000e+00 : f32
        %broadcast_in_dim3A_60 = vector.broadcast %broadcast_in_dim3A_59 : f32 to vector<16xf32>
        %mul3A_61 = arith.constant 16 : i32
        %mul3A_62 = arith.muli %scan3A_58, %mul3A_61 : i32
        %swap3A_63 = arith.index_cast %mul3A_62 : i32 to index
        %swap3A_64 = tpu.vector_load %arg6[%swap3A_63] {strides = array<i32>} : memref<2000xf32, #tpu.memory_space<vmem>>, vector<16xf32>,
        %swap3A_65 = vector.shape_cast %swap3A_64 : vector<16xf32> to vector<16xf32>
        %swap3A_66 = vector.shape_cast %broadcast_in_dim3A_60 : vector<16xf32> to vector<16xf32>
        tpu.vector_store %arg6[%swap3A_63], %swap3A_66 {strides = array<i32>} : memref<2000xf32, #tpu.memory_space<vmem>>, vector<16xf32>,
      }
      %scan3A_55 = arith.constant 125 : i32
      %mul3A_56 = arith.constant 2000 : i32
      %mul3A_57 = arith.muli %arg1, %mul3A_56 : i32
      "tpu.region"() ({
        %run_scoped3A = tpu.sem_alloc : memref<!tpu.dma_semaphore, #tpu.memory_space<semaphore_mem>>
        %dma_start3A_58 = tpu.memref_slice %arg7[%mul3A_57] : memref<10000xf32, #tpu.memory_space<vmem_shared>> -> memref<2000xf32, #tpu.memory_space<vmem_shared>>
        %dma_start3A_59 = tpu.memref_slice %arg7[%mul3A_57] : memref<10000xf32, #tpu.memory_space<vmem_shared>> -> memref<2000xf32, #tpu.memory_space<vmem_shared>>
        tpu.enqueue_dma source(%arg6 : memref<2000xf32, #tpu.memory_space<vmem>>) target(%dma_start3A_59 : memref<2000xf32, #tpu.memory_space<vmem_shared>>) target_semaphore(%run_scoped3A : memref<!tpu.dma_semaphore, #tpu.memory_space<semaphore_mem>>)
        %dma_wait3A_60 = tpu.memref_slice %arg7[%mul3A_57] : memref<10000xf32, #tpu.memory_space<vmem_shared>> -> memref<2000xf32, #tpu.memory_space<vmem_shared>>
        %dma_wait3A_61 = tpu.memref_slice %arg7[%mul3A_57] : memref<10000xf32, #tpu.memory_space<vmem_shared>> -> memref<2000xf32, #tpu.memory_space<vmem_shared>>
        tpu.wait_dma2 semaphore(%run_scoped3A : memref<!tpu.dma_semaphore, #tpu.memory_space<semaphore_mem>>) src(%arg6 : memref<2000xf32, #tpu.memory_space<vmem>>) dst(%dma_wait3A_61 : memref<2000xf32, #tpu.memory_space<vmem_shared>>)
        tpu.yield
      }) : () -> ()
    } else {
    }
    %barrier3A = arith.constant 0 : index
    tpu.barrier barrier_id(%barrier3A)
    %dma_start3A = arith.constant 0 : i32
    %dma_start3A_31 = arith.constant 0 : i32
    %dma_start3A_32 = tpu.memref_slice %arg4[%dma_start3A, %dma_start3A_31] : memref<125x80xi32, #tpu.memory_space<vmem>> -> memref<1x80xi32, #tpu.memory_space<vmem>>
    %dma_start3A_33 = tpu.memref_squeeze %dma_start3A_32 : memref<1x80xi32, #tpu.memory_space<vmem>> -> memref<80xi32, #tpu.memory_space<vmem>>
    %dma_start3A_34 = arith.constant 0 : i32
    %dma_start3A_35 = tpu.memref_slice %arg7[%dma_start3A_34] : memref<10000xf32, #tpu.memory_space<vmem_shared>> -> memref<10000xf32, #tpu.memory_space<vmem_shared>>
    tpu.enqueue_indirect_dma source(%arg5 : memref<80xf32, #tpu.memory_space<vmem>>) target(%dma_start3A_35 : memref<10000xf32, #tpu.memory_space<vmem_shared>>) offsets(%dma_start3A_33 : memref<80xi32, #tpu.memory_space<vmem>>) semaphore(%arg8 : memref<!tpu.dma_semaphore, #tpu.memory_space<semaphore_mem>>) {add = true}
    %scan3A = arith.constant 0 : i32
    %scan3A_36 = arith.constant 0 : i32
    %scan3A_37 = arith.constant 62 : i32
    %scan3A_38 = arith.addi %scan3A_36, %scan3A_37 : i32
    %scan3A_39 = arith.constant 1 : i32
    scf.for %scan3A_50 = %scan3A_36 to %scan3A_38 step %scan3A_39  : i32 {
      %mul3A_51 = arith.constant 2 : i32
      %mul3A_52 = arith.muli %mul3A_51, %scan3A_50 : i32
      %add3A_53 = arith.constant 1 : i32
      %add3A_54 = arith.addi %mul3A_52, %add3A_53 : i32
      %dma_start3A_55 = arith.constant 0 : i32
      %dma_start3A_56 = tpu.memref_slice %arg4[%add3A_54, %dma_start3A_55] : memref<125x80xi32, #tpu.memory_space<vmem>> -> memref<1x80xi32, #tpu.memory_space<vmem>>
      %dma_start3A_57 = tpu.memref_squeeze %dma_start3A_56 : memref<1x80xi32, #tpu.memory_space<vmem>> -> memref<80xi32, #tpu.memory_space<vmem>>
      %dma_start3A_58 = arith.constant 0 : i32
      %dma_start3A_59 = tpu.memref_slice %arg7[%dma_start3A_58] : memref<10000xf32, #tpu.memory_space<vmem_shared>> -> memref<10000xf32, #tpu.memory_space<vmem_shared>>
      tpu.enqueue_indirect_dma source(%arg5 : memref<80xf32, #tpu.memory_space<vmem>>) target(%dma_start3A_59 : memref<10000xf32, #tpu.memory_space<vmem_shared>>) offsets(%dma_start3A_57 : memref<80xi32, #tpu.memory_space<vmem>>) semaphore(%arg9 : memref<!tpu.dma_semaphore, #tpu.memory_space<semaphore_mem>>) {add = true}
      %dma_wait3A_60 = arith.constant 0 : i32
      %dma_wait3A_61 = tpu.memref_slice %arg3[%dma_wait3A_60] : memref<20000xf32, #tpu.memory_space<hbm>> -> memref<80xf32, #tpu.memory_space<hbm>>
      %dma_wait3A_62 = arith.constant 0 : i32
      %dma_wait3A_63 = tpu.memref_slice %arg3[%dma_wait3A_62] : memref<20000xf32, #tpu.memory_space<hbm>> -> memref<80xf32, #tpu.memory_space<hbm>>
      tpu.wait_dma2 semaphore(%arg8 : memref<!tpu.dma_semaphore, #tpu.memory_space<semaphore_mem>>) src(%dma_wait3A_63 : memref<80xf32, #tpu.memory_space<hbm>>) dst(%arg5 : memref<80xf32, #tpu.memory_space<vmem>>)
      %add3A_64 = arith.constant 2 : i32
      %add3A_65 = arith.addi %mul3A_52, %add3A_64 : i32
      %dma_start3A_66 = arith.constant 0 : i32
      %dma_start3A_67 = tpu.memref_slice %arg4[%add3A_65, %dma_start3A_66] : memref<125x80xi32, #tpu.memory_space<vmem>> -> memref<1x80xi32, #tpu.memory_space<vmem>>
      %dma_start3A_68 = tpu.memref_squeeze %dma_start3A_67 : memref<1x80xi32, #tpu.memory_space<vmem>> -> memref<80xi32, #tpu.memory_space<vmem>>
      %dma_start3A_69 = arith.constant 0 : i32
      %dma_start3A_70 = tpu.memref_slice %arg7[%dma_start3A_69] : memref<10000xf32, #tpu.memory_space<vmem_shared>> -> memref<10000xf32, #tpu.memory_space<vmem_shared>>
      tpu.enqueue_indirect_dma source(%arg5 : memref<80xf32, #tpu.memory_space<vmem>>) target(%dma_start3A_70 : memref<10000xf32, #tpu.memory_space<vmem_shared>>) offsets(%dma_start3A_68 : memref<80xi32, #tpu.memory_space<vmem>>) semaphore(%arg8 : memref<!tpu.dma_semaphore, #tpu.memory_space<semaphore_mem>>) {add = true}
      %dma_wait3A_71 = arith.constant 0 : i32
      %dma_wait3A_72 = tpu.memref_slice %arg3[%dma_wait3A_71] : memref<20000xf32, #tpu.memory_space<hbm>> -> memref<80xf32, #tpu.memory_space<hbm>>
      %dma_wait3A_73 = arith.constant 0 : i32
      %dma_wait3A_74 = tpu.memref_slice %arg3[%dma_wait3A_73] : memref<20000xf32, #tpu.memory_space<hbm>> -> memref<80xf32, #tpu.memory_space<hbm>>
      tpu.wait_dma2 semaphore(%arg9 : memref<!tpu.dma_semaphore, #tpu.memory_space<semaphore_mem>>) src(%dma_wait3A_74 : memref<80xf32, #tpu.memory_space<hbm>>) dst(%arg5 : memref<80xf32, #tpu.memory_space<vmem>>)
    }
    %scan3A_40 = arith.constant 62 : i32
    %dma_wait3A = arith.constant 0 : i32
    %dma_wait3A_41 = tpu.memref_slice %arg3[%dma_wait3A] : memref<20000xf32, #tpu.memory_space<hbm>> -> memref<80xf32, #tpu.memory_space<hbm>>
    %dma_wait3A_42 = arith.constant 0 : i32
    %dma_wait3A_43 = tpu.memref_slice %arg3[%dma_wait3A_42] : memref<20000xf32, #tpu.memory_space<hbm>> -> memref<80xf32, #tpu.memory_space<hbm>>
    tpu.wait_dma2 semaphore(%arg8 : memref<!tpu.dma_semaphore, #tpu.memory_space<semaphore_mem>>) src(%dma_wait3A_43 : memref<80xf32, #tpu.memory_space<hbm>>) dst(%arg5 : memref<80xf32, #tpu.memory_space<vmem>>)
    %barrier3A_44 = arith.constant 0 : index
    tpu.barrier barrier_id(%barrier3A_44)
    %lt3A_45 = arith.constant 5 : i32
    %lt3A_46 = arith.cmpi slt, %arg1, %lt3A_45 : i32
    %convert_element_type3A_47 = arith.extui %lt3A_46 : i1 to i32
    %cond3A_48 = arith.constant 0 : i32
    %cond3A_49 = arith.cmpi ne, %convert_element_type3A_47, %cond3A_48 : i32
    scf.if %cond3A_49 {
      %mul3A_50 = arith.constant 2000 : i32
      %mul3A_51 = arith.muli %arg1, %mul3A_50 : i32
      "tpu.region"() ({
        %run_scoped3A = tpu.sem_alloc : memref<!tpu.dma_semaphore, #tpu.memory_space<semaphore_mem>>
        %dma_start3A_57 = tpu.memref_slice %arg7[%mul3A_51] : memref<10000xf32, #tpu.memory_space<vmem_shared>> -> memref<2000xf32, #tpu.memory_space<vmem_shared>>
        %dma_start3A_58 = tpu.memref_slice %arg7[%mul3A_51] : memref<10000xf32, #tpu.memory_space<vmem_shared>> -> memref<2000xf32, #tpu.memory_space<vmem_shared>>
        tpu.enqueue_dma source(%dma_start3A_58 : memref<2000xf32, #tpu.memory_space<vmem_shared>>) target(%arg6 : memref<2000xf32, #tpu.memory_space<vmem>>) target_semaphore(%run_scoped3A : memref<!tpu.dma_semaphore, #tpu.memory_space<semaphore_mem>>)
        %dma_wait3A_59 = tpu.memref_slice %arg7[%mul3A_51] : memref<10000xf32, #tpu.memory_space<vmem_shared>> -> memref<2000xf32, #tpu.memory_space<vmem_shared>>
        %dma_wait3A_60 = tpu.memref_slice %arg7[%mul3A_51] : memref<10000xf32, #tpu.memory_space<vmem_shared>> -> memref<2000xf32, #tpu.memory_space<vmem_shared>>
        tpu.wait_dma2 semaphore(%run_scoped3A : memref<!tpu.dma_semaphore, #tpu.memory_space<semaphore_mem>>) src(%dma_wait3A_60 : memref<2000xf32, #tpu.memory_space<vmem_shared>>) dst(%arg6 : memref<2000xf32, #tpu.memory_space<vmem>>)
        tpu.yield
      }) : () -> ()
      %mul3A_52 = arith.constant 10000 : i32
      %mul3A_53 = arith.muli %arg0, %mul3A_52 : i32
      %mul3A_54 = arith.constant 2000 : i32
      %mul3A_55 = arith.muli %arg1, %mul3A_54 : i32
      %add3A_56 = arith.addi %mul3A_53, %mul3A_55 : i32
      "tpu.region"() ({
        %run_scoped3A = tpu.sem_alloc : memref<!tpu.dma_semaphore, #tpu.memory_space<semaphore_mem>>
        %dma_start3A_57 = tpu.memref_slice %arg3[%add3A_56] : memref<20000xf32, #tpu.memory_space<hbm>> -> memref<2000xf32, #tpu.memory_space<hbm>>
        %dma_start3A_58 = tpu.memref_slice %arg3[%add3A_56] : memref<20000xf32, #tpu.memory_space<hbm>> -> memref<2000xf32, #tpu.memory_space<hbm>>
        tpu.enqueue_dma source(%arg6 : memref<2000xf32, #tpu.memory_space<vmem>>) target(%dma_start3A_58 : memref<2000xf32, #tpu.memory_space<hbm>>) target_semaphore(%run_scoped3A : memref<!tpu.dma_semaphore, #tpu.memory_space<semaphore_mem>>)
        %dma_wait3A_59 = tpu.memref_slice %arg3[%add3A_56] : memref<20000xf32, #tpu.memory_space<hbm>> -> memref<2000xf32, #tpu.memory_space<hbm>>
        %dma_wait3A_60 = tpu.memref_slice %arg3[%add3A_56] : memref<20000xf32, #tpu.memory_space<hbm>> -> memref<2000xf32, #tpu.memory_space<hbm>>
        tpu.wait_dma2 semaphore(%run_scoped3A : memref<!tpu.dma_semaphore, #tpu.memory_space<semaphore_mem>>) src(%arg6 : memref<2000xf32, #tpu.memory_space<vmem>>) dst(%dma_wait3A_60 : memref<2000xf32, #tpu.memory_space<hbm>>)
        tpu.yield
      }) : () -> ()
    } else {
    }
    return
  }
}

#map = affine_map<(d0, d1) -> (0)>
#map1 = affine_map<(d0, d1) -> (0, 0, 0)>
#map2 = affine_map<(d0, d1) -> (0, 0)>
module attributes {stable_mosaic.version = 14 : i64} {
  func.func @scat_kernel(%arg0: i32, %arg1: i32, %arg2: memref<320000xi32, #tpu.memory_space<hbm>>, %arg3: memref<32x125x80xi32, #tpu.memory_space<hbm>>, %arg4: memref<10000x128xf32, #tpu.memory_space<hbm>>, %arg5: memref<10000x128xf32, #tpu.memory_space<hbm>>, %arg6: memref<20000x128xf32, #tpu.memory_space<hbm>>, %arg7: memref<10000xi32, #tpu.memory_space<vmem>>, %arg8: memref<125x80xi32, #tpu.memory_space<vmem>>, %arg9: memref<2x80x128xf32, #tpu.memory_space<vmem>>, %arg10: memref<10000x128xf32, #tpu.memory_space<vmem_shared>>, %arg11: memref<!tpu.dma_semaphore, #tpu.memory_space<semaphore_mem>>, %arg12: memref<!tpu.dma_semaphore, #tpu.memory_space<semaphore_mem>>) attributes {dimension_semantics = [#tpu.dimension_semantics<core_parallel>, #tpu.dimension_semantics<subcore_parallel>], iteration_bounds = array<i64: 2, 16>, scalar_prefetch = 0 : i64, scratch_operands = 6 : i64, tpu.core_type = #tpu.core_type<sc_vector_subcore>, window_params = [{transform_indices = #map}, {transform_indices = #map1}, {transform_indices = #map2}, {transform_indices = #map2}, {transform_indices = #map2}]} {
    %mul3A = arith.constant 2 : i32
    %mul3A_0 = arith.muli %arg1, %mul3A : i32
    %add3A = arith.addi %mul3A_0, %arg0 : i32
    %mul3A_1 = arith.constant 10000 : i32
    %mul3A_2 = arith.muli %add3A, %mul3A_1 : i32
    "tpu.region"() ({
      %run_scoped3A_48 = tpu.sem_alloc : memref<!tpu.dma_semaphore, #tpu.memory_space<semaphore_mem>>
      %dma_start3A_49 = tpu.memref_slice %arg2[%mul3A_2] : memref<320000xi32, #tpu.memory_space<hbm>> -> memref<10000xi32, #tpu.memory_space<hbm>>
      %dma_start3A_50 = tpu.memref_slice %arg2[%mul3A_2] : memref<320000xi32, #tpu.memory_space<hbm>> -> memref<10000xi32, #tpu.memory_space<hbm>>
      tpu.enqueue_dma source(%dma_start3A_50 : memref<10000xi32, #tpu.memory_space<hbm>>) target(%arg7 : memref<10000xi32, #tpu.memory_space<vmem>>) target_semaphore(%run_scoped3A_48 : memref<!tpu.dma_semaphore, #tpu.memory_space<semaphore_mem>>)
      %dma_wait3A_51 = tpu.memref_slice %arg2[%mul3A_2] : memref<320000xi32, #tpu.memory_space<hbm>> -> memref<10000xi32, #tpu.memory_space<hbm>>
      %dma_wait3A_52 = tpu.memref_slice %arg2[%mul3A_2] : memref<320000xi32, #tpu.memory_space<hbm>> -> memref<10000xi32, #tpu.memory_space<hbm>>
      tpu.wait_dma2 semaphore(%run_scoped3A_48 : memref<!tpu.dma_semaphore, #tpu.memory_space<semaphore_mem>>) src(%dma_wait3A_52 : memref<10000xi32, #tpu.memory_space<hbm>>) dst(%arg7 : memref<10000xi32, #tpu.memory_space<vmem>>)
      tpu.yield
    }) : () -> ()
    "tpu.region"() ({
      %run_scoped3A_48 = tpu.sem_alloc : memref<!tpu.dma_semaphore, #tpu.memory_space<semaphore_mem>>
      %dma_start3A_49 = arith.constant 0 : i32
      %dma_start3A_50 = arith.constant 0 : i32
      %dma_start3A_51 = tpu.memref_slice %arg3[%add3A, %dma_start3A_49, %dma_start3A_50] : memref<32x125x80xi32, #tpu.memory_space<hbm>> -> memref<1x125x80xi32, #tpu.memory_space<hbm>>
      %dma_start3A_52 = tpu.memref_squeeze %dma_start3A_51 : memref<1x125x80xi32, #tpu.memory_space<hbm>> -> memref<125x80xi32, #tpu.memory_space<hbm>>
      %dma_start3A_53 = arith.constant 0 : i32
      %dma_start3A_54 = arith.constant 0 : i32
      %dma_start3A_55 = tpu.memref_slice %arg3[%add3A, %dma_start3A_53, %dma_start3A_54] : memref<32x125x80xi32, #tpu.memory_space<hbm>> -> memref<1x125x80xi32, #tpu.memory_space<hbm>>
      %dma_start3A_56 = tpu.memref_squeeze %dma_start3A_55 : memref<1x125x80xi32, #tpu.memory_space<hbm>> -> memref<125x80xi32, #tpu.memory_space<hbm>>
      tpu.enqueue_dma source(%dma_start3A_56 : memref<125x80xi32, #tpu.memory_space<hbm>>) target(%arg8 : memref<125x80xi32, #tpu.memory_space<vmem>>) target_semaphore(%run_scoped3A_48 : memref<!tpu.dma_semaphore, #tpu.memory_space<semaphore_mem>>)
      %dma_wait3A_57 = arith.constant 0 : i32
      %dma_wait3A_58 = arith.constant 0 : i32
      %dma_wait3A_59 = tpu.memref_slice %arg3[%add3A, %dma_wait3A_57, %dma_wait3A_58] : memref<32x125x80xi32, #tpu.memory_space<hbm>> -> memref<1x125x80xi32, #tpu.memory_space<hbm>>
      %dma_wait3A_60 = tpu.memref_squeeze %dma_wait3A_59 : memref<1x125x80xi32, #tpu.memory_space<hbm>> -> memref<125x80xi32, #tpu.memory_space<hbm>>
      %dma_wait3A_61 = arith.constant 0 : i32
      %dma_wait3A_62 = arith.constant 0 : i32
      %dma_wait3A_63 = tpu.memref_slice %arg3[%add3A, %dma_wait3A_61, %dma_wait3A_62] : memref<32x125x80xi32, #tpu.memory_space<hbm>> -> memref<1x125x80xi32, #tpu.memory_space<hbm>>
      %dma_wait3A_64 = tpu.memref_squeeze %dma_wait3A_63 : memref<1x125x80xi32, #tpu.memory_space<hbm>> -> memref<125x80xi32, #tpu.memory_space<hbm>>
      tpu.wait_dma2 semaphore(%run_scoped3A_48 : memref<!tpu.dma_semaphore, #tpu.memory_space<semaphore_mem>>) src(%dma_wait3A_64 : memref<125x80xi32, #tpu.memory_space<hbm>>) dst(%arg8 : memref<125x80xi32, #tpu.memory_space<vmem>>)
      tpu.yield
    }) : () -> ()
    %lt3A = arith.constant 10 : i32
    %lt3A_3 = arith.cmpi slt, %arg1, %lt3A : i32
    %eq3A = arith.constant 0 : i32
    %eq3A_4 = arith.cmpi eq, %arg0, %eq3A : i32
    %and3A = arith.andi %lt3A_3, %eq3A_4 : i1
    %convert_element_type3A = arith.extui %and3A : i1 to i32
    %cond3A = arith.constant 0 : i32
    %cond3A_5 = arith.cmpi ne, %convert_element_type3A, %cond3A : i32
    scf.if %cond3A_5 {
      %mul3A_48 = arith.constant 1000 : i32
      %mul3A_49 = arith.muli %arg1, %mul3A_48 : i32
      %mul3A_50 = arith.constant 1000 : i32
      %mul3A_51 = arith.muli %arg1, %mul3A_50 : i32
      "tpu.region"() ({
        %run_scoped3A_52 = tpu.sem_alloc : memref<!tpu.dma_semaphore, #tpu.memory_space<semaphore_mem>>
        %dma_start3A_53 = arith.constant 0 : i32
        %dma_start3A_54 = tpu.memref_slice %arg10[%mul3A_51, %dma_start3A_53] : memref<10000x128xf32, #tpu.memory_space<vmem_shared>> -> memref<1000x128xf32, #tpu.memory_space<vmem_shared>>
        %dma_start3A_55 = arith.constant 0 : i32
        %dma_start3A_56 = tpu.memref_slice %arg5[%mul3A_49, %dma_start3A_55] : memref<10000x128xf32, #tpu.memory_space<hbm>> -> memref<1000x128xf32, #tpu.memory_space<hbm>>
        tpu.enqueue_dma source(%dma_start3A_56 : memref<1000x128xf32, #tpu.memory_space<hbm>>) target(%dma_start3A_54 : memref<1000x128xf32, #tpu.memory_space<vmem_shared>>) target_semaphore(%run_scoped3A_52 : memref<!tpu.dma_semaphore, #tpu.memory_space<semaphore_mem>>)
        %dma_wait3A_57 = arith.constant 0 : i32
        %dma_wait3A_58 = tpu.memref_slice %arg10[%mul3A_51, %dma_wait3A_57] : memref<10000x128xf32, #tpu.memory_space<vmem_shared>> -> memref<1000x128xf32, #tpu.memory_space<vmem_shared>>
        %dma_wait3A_59 = arith.constant 0 : i32
        %dma_wait3A_60 = tpu.memref_slice %arg5[%mul3A_49, %dma_wait3A_59] : memref<10000x128xf32, #tpu.memory_space<hbm>> -> memref<1000x128xf32, #tpu.memory_space<hbm>>
        tpu.wait_dma2 semaphore(%run_scoped3A_52 : memref<!tpu.dma_semaphore, #tpu.memory_space<semaphore_mem>>) src(%dma_wait3A_60 : memref<1000x128xf32, #tpu.memory_space<hbm>>) dst(%dma_wait3A_58 : memref<1000x128xf32, #tpu.memory_space<vmem_shared>>)
        tpu.yield
      }) : () -> ()
    } else {
    }
    %lt3A_6 = arith.constant 10 : i32
    %lt3A_7 = arith.cmpi slt, %arg1, %lt3A_6 : i32
    %ne3A = arith.constant 0 : i32
    %ne3A_8 = arith.cmpi ne, %arg0, %ne3A : i32
    %and3A_9 = arith.andi %lt3A_7, %ne3A_8 : i1
    %convert_element_type3A_10 = arith.extui %and3A_9 : i1 to i32
    %cond3A_11 = arith.constant 0 : i32
    %cond3A_12 = arith.cmpi ne, %convert_element_type3A_10, %cond3A_11 : i32
    scf.if %cond3A_12 {
      %mul3A_48 = arith.constant 1000 : i32
      %mul3A_49 = arith.muli %arg1, %mul3A_48 : i32
      %mul3A_50 = arith.constant 1000 : i32
      %mul3A_51 = arith.muli %arg1, %mul3A_50 : i32
      "tpu.region"() ({
        %run_scoped3A_52 = tpu.sem_alloc : memref<!tpu.dma_semaphore, #tpu.memory_space<semaphore_mem>>
        %dma_start3A_53 = arith.constant 0 : i32
        %dma_start3A_54 = tpu.memref_slice %arg10[%mul3A_51, %dma_start3A_53] : memref<10000x128xf32, #tpu.memory_space<vmem_shared>> -> memref<1000x128xf32, #tpu.memory_space<vmem_shared>>
        %dma_start3A_55 = arith.constant 0 : i32
        %dma_start3A_56 = tpu.memref_slice %arg4[%mul3A_49, %dma_start3A_55] : memref<10000x128xf32, #tpu.memory_space<hbm>> -> memref<1000x128xf32, #tpu.memory_space<hbm>>
        tpu.enqueue_dma source(%dma_start3A_56 : memref<1000x128xf32, #tpu.memory_space<hbm>>) target(%dma_start3A_54 : memref<1000x128xf32, #tpu.memory_space<vmem_shared>>) target_semaphore(%run_scoped3A_52 : memref<!tpu.dma_semaphore, #tpu.memory_space<semaphore_mem>>)
        %dma_wait3A_57 = arith.constant 0 : i32
        %dma_wait3A_58 = tpu.memref_slice %arg10[%mul3A_51, %dma_wait3A_57] : memref<10000x128xf32, #tpu.memory_space<vmem_shared>> -> memref<1000x128xf32, #tpu.memory_space<vmem_shared>>
        %dma_wait3A_59 = arith.constant 0 : i32
        %dma_wait3A_60 = tpu.memref_slice %arg4[%mul3A_49, %dma_wait3A_59] : memref<10000x128xf32, #tpu.memory_space<hbm>> -> memref<1000x128xf32, #tpu.memory_space<hbm>>
        tpu.wait_dma2 semaphore(%run_scoped3A_52 : memref<!tpu.dma_semaphore, #tpu.memory_space<semaphore_mem>>) src(%dma_wait3A_60 : memref<1000x128xf32, #tpu.memory_space<hbm>>) dst(%dma_wait3A_58 : memref<1000x128xf32, #tpu.memory_space<vmem_shared>>)
        tpu.yield
      }) : () -> ()
    } else {
    }
    %barrier3A = arith.constant 0 : index
    tpu.barrier barrier_id(%barrier3A)
    %dma_start3A = arith.constant 0 : i32
    %dma_start3A_13 = arith.constant 0 : i32
    %dma_start3A_14 = arith.constant 0 : i32
    %dma_start3A_15 = tpu.memref_slice %arg9[%dma_start3A, %dma_start3A_13, %dma_start3A_14] : memref<2x80x128xf32, #tpu.memory_space<vmem>> -> memref<1x80x128xf32, #tpu.memory_space<vmem>>
    %dma_start3A_16 = tpu.memref_squeeze %dma_start3A_15 : memref<1x80x128xf32, #tpu.memory_space<vmem>> -> memref<80x128xf32, #tpu.memory_space<vmem>>
    %dma_start3A_17 = arith.constant 0 : i32
    %dma_start3A_18 = tpu.memref_slice %arg7[%dma_start3A_17] : memref<10000xi32, #tpu.memory_space<vmem>> -> memref<80xi32, #tpu.memory_space<vmem>>
    %dma_start3A_19 = arith.constant 0 : i32
    %dma_start3A_20 = arith.constant 0 : i32
    %dma_start3A_21 = tpu.memref_slice %arg5[%dma_start3A_19, %dma_start3A_20] : memref<10000x128xf32, #tpu.memory_space<hbm>> -> memref<10000x128xf32, #tpu.memory_space<hbm>>
    tpu.enqueue_indirect_dma source(%dma_start3A_21 : memref<10000x128xf32, #tpu.memory_space<hbm>>) target(%dma_start3A_16 : memref<80x128xf32, #tpu.memory_space<vmem>>) offsets(%dma_start3A_18 : memref<80xi32, #tpu.memory_space<vmem>>) semaphore(%arg11 : memref<!tpu.dma_semaphore, #tpu.memory_space<semaphore_mem>>)
    %scan3A = arith.constant 0 : i32
    %scan3A_22 = arith.constant 0 : i32
    %scan3A_23 = arith.constant 62 : i32
    %scan3A_24 = arith.addi %scan3A_22, %scan3A_23 : i32
    %scan3A_25 = arith.constant 1 : i32
    scf.for %scan3A_48 = %scan3A_22 to %scan3A_24 step %scan3A_25  : i32 {
      %mul3A_49 = arith.constant 2 : i32
      %mul3A_50 = arith.muli %mul3A_49, %scan3A_48 : i32
      %add3A_51 = arith.constant 1 : i32
      %add3A_52 = arith.addi %mul3A_50, %add3A_51 : i32
      %mul3A_53 = arith.constant 80 : i32
      %mul3A_54 = arith.muli %add3A_52, %mul3A_53 : i32
      %dma_start3A_55 = arith.constant 1 : i32
      %dma_start3A_56 = arith.constant 0 : i32
      %dma_start3A_57 = arith.constant 0 : i32
      %dma_start3A_58 = tpu.memref_slice %arg9[%dma_start3A_55, %dma_start3A_56, %dma_start3A_57] : memref<2x80x128xf32, #tpu.memory_space<vmem>> -> memref<1x80x128xf32, #tpu.memory_space<vmem>>
      %dma_start3A_59 = tpu.memref_squeeze %dma_start3A_58 : memref<1x80x128xf32, #tpu.memory_space<vmem>> -> memref<80x128xf32, #tpu.memory_space<vmem>>
      %dma_start3A_60 = tpu.memref_slice %arg7[%mul3A_54] : memref<10000xi32, #tpu.memory_space<vmem>> -> memref<80xi32, #tpu.memory_space<vmem>>
      %dma_start3A_61 = arith.constant 0 : i32
      %dma_start3A_62 = arith.constant 0 : i32
      %dma_start3A_63 = tpu.memref_slice %arg5[%dma_start3A_61, %dma_start3A_62] : memref<10000x128xf32, #tpu.memory_space<hbm>> -> memref<10000x128xf32, #tpu.memory_space<hbm>>
      tpu.enqueue_indirect_dma source(%dma_start3A_63 : memref<10000x128xf32, #tpu.memory_space<hbm>>) target(%dma_start3A_59 : memref<80x128xf32, #tpu.memory_space<vmem>>) offsets(%dma_start3A_60 : memref<80xi32, #tpu.memory_space<vmem>>) semaphore(%arg12 : memref<!tpu.dma_semaphore, #tpu.memory_space<semaphore_mem>>)
      %dma_wait3A_64 = arith.constant 0 : i32
      %dma_wait3A_65 = arith.constant 0 : i32
      %dma_wait3A_66 = arith.constant 0 : i32
      %dma_wait3A_67 = tpu.memref_slice %arg9[%dma_wait3A_64, %dma_wait3A_65, %dma_wait3A_66] : memref<2x80x128xf32, #tpu.memory_space<vmem>> -> memref<1x80x128xf32, #tpu.memory_space<vmem>>
      %dma_wait3A_68 = tpu.memref_squeeze %dma_wait3A_67 : memref<1x80x128xf32, #tpu.memory_space<vmem>> -> memref<80x128xf32, #tpu.memory_space<vmem>>
      %dma_wait3A_69 = arith.constant 0 : i32
      %dma_wait3A_70 = arith.constant 0 : i32
      %dma_wait3A_71 = tpu.memref_slice %arg5[%dma_wait3A_69, %dma_wait3A_70] : memref<10000x128xf32, #tpu.memory_space<hbm>> -> memref<80x128xf32, #tpu.memory_space<hbm>>
      %dma_wait3A_72 = arith.constant 0 : i32
      %dma_wait3A_73 = arith.constant 0 : i32
      %dma_wait3A_74 = tpu.memref_slice %arg9[%dma_wait3A_64, %dma_wait3A_72, %dma_wait3A_73] : memref<2x80x128xf32, #tpu.memory_space<vmem>> -> memref<1x80x128xf32, #tpu.memory_space<vmem>>
      %dma_wait3A_75 = tpu.memref_squeeze %dma_wait3A_74 : memref<1x80x128xf32, #tpu.memory_space<vmem>> -> memref<80x128xf32, #tpu.memory_space<vmem>>
      %dma_wait3A_76 = arith.constant 0 : i32
      %dma_wait3A_77 = arith.constant 0 : i32
      %dma_wait3A_78 = tpu.memref_slice %arg5[%dma_wait3A_76, %dma_wait3A_77] : memref<10000x128xf32, #tpu.memory_space<hbm>> -> memref<80x128xf32, #tpu.memory_space<hbm>>
      tpu.wait_dma2 semaphore(%arg11 : memref<!tpu.dma_semaphore, #tpu.memory_space<semaphore_mem>>) src(%dma_wait3A_78 : memref<80x128xf32, #tpu.memory_space<hbm>>) dst(%dma_wait3A_75 : memref<80x128xf32, #tpu.memory_space<vmem>>)
      %run_scoped3A_79 = arith.constant 0 : i32
      "tpu.region"() ({
        %run_scoped3A_111 = tpu.sem_alloc : memref<!tpu.dma_semaphore, #tpu.memory_space<semaphore_mem>>
        %dma_start3A_112 = arith.constant 0 : i32
        %dma_start3A_113 = arith.constant 0 : i32
        %dma_start3A_114 = tpu.memref_slice %arg9[%run_scoped3A_79, %dma_start3A_112, %dma_start3A_113] : memref<2x80x128xf32, #tpu.memory_space<vmem>> -> memref<1x80x128xf32, #tpu.memory_space<vmem>>
        %dma_start3A_115 = tpu.memref_squeeze %dma_start3A_114 : memref<1x80x128xf32, #tpu.memory_space<vmem>> -> memref<80x128xf32, #tpu.memory_space<vmem>>
        %dma_start3A_116 = arith.constant 0 : i32
        %dma_start3A_117 = tpu.memref_slice %arg8[%mul3A_50, %dma_start3A_116] : memref<125x80xi32, #tpu.memory_space<vmem>> -> memref<1x80xi32, #tpu.memory_space<vmem>>
        %dma_start3A_118 = tpu.memref_squeeze %dma_start3A_117 : memref<1x80xi32, #tpu.memory_space<vmem>> -> memref<80xi32, #tpu.memory_space<vmem>>
        %dma_start3A_119 = arith.constant 0 : i32
        %dma_start3A_120 = arith.constant 0 : i32
        %dma_start3A_121 = tpu.memref_slice %arg10[%dma_start3A_119, %dma_start3A_120] : memref<10000x128xf32, #tpu.memory_space<vmem_shared>> -> memref<10000x128xf32, #tpu.memory_space<vmem_shared>>
        tpu.enqueue_indirect_dma source(%dma_start3A_115 : memref<80x128xf32, #tpu.memory_space<vmem>>) target(%dma_start3A_121 : memref<10000x128xf32, #tpu.memory_space<vmem_shared>>) offsets(%dma_start3A_118 : memref<80xi32, #tpu.memory_space<vmem>>) semaphore(%run_scoped3A_111 : memref<!tpu.dma_semaphore, #tpu.memory_space<semaphore_mem>>) {add = true}
        %dma_wait3A_122 = arith.constant 0 : i32
        %dma_wait3A_123 = arith.constant 0 : i32
        %dma_wait3A_124 = tpu.memref_slice %arg9[%run_scoped3A_79, %dma_wait3A_122, %dma_wait3A_123] : memref<2x80x128xf32, #tpu.memory_space<vmem>> -> memref<1x80x128xf32, #tpu.memory_space<vmem>>
        %dma_wait3A_125 = tpu.memref_squeeze %dma_wait3A_124 : memref<1x80x128xf32, #tpu.memory_space<vmem>> -> memref<80x128xf32, #tpu.memory_space<vmem>>
        %dma_wait3A_126 = arith.constant 0 : i32
        %dma_wait3A_127 = tpu.memref_slice %arg8[%mul3A_50, %dma_wait3A_126] : memref<125x80xi32, #tpu.memory_space<vmem>> -> memref<1x80xi32, #tpu.memory_space<vmem>>
        %dma_wait3A_128 = tpu.memref_squeeze %dma_wait3A_127 : memref<1x80xi32, #tpu.memory_space<vmem>> -> memref<80xi32, #tpu.memory_space<vmem>>
        %dma_wait3A_129 = arith.constant 0 : i32
        %dma_wait3A_130 = arith.constant 0 : i32
        %dma_wait3A_131 = tpu.memref_slice %arg10[%dma_wait3A_129, %dma_wait3A_130] : memref<10000x128xf32, #tpu.memory_space<vmem_shared>> -> memref<10000x128xf32, #tpu.memory_space<vmem_shared>>
        tpu.wait_indirect_dma semaphore(%run_scoped3A_111 : memref<!tpu.dma_semaphore, #tpu.memory_space<semaphore_mem>>) src(%dma_wait3A_125 : memref<80x128xf32, #tpu.memory_space<vmem>>) dst(%dma_wait3A_131 : memref<10000x128xf32, #tpu.memory_space<vmem_shared>>)
        tpu.yield
      }) : () -> ()
      %add3A_80 = arith.constant 2 : i32
      %add3A_81 = arith.addi %mul3A_50, %add3A_80 : i32
      %mul3A_82 = arith.constant 80 : i32
      %mul3A_83 = arith.muli %add3A_81, %mul3A_82 : i32
      %dma_start3A_84 = arith.constant 0 : i32
      %dma_start3A_85 = arith.constant 0 : i32
      %dma_start3A_86 = arith.constant 0 : i32
      %dma_start3A_87 = tpu.memref_slice %arg9[%dma_start3A_84, %dma_start3A_85, %dma_start3A_86] : memref<2x80x128xf32, #tpu.memory_space<vmem>> -> memref<1x80x128xf32, #tpu.memory_space<vmem>>
      %dma_start3A_88 = tpu.memref_squeeze %dma_start3A_87 : memref<1x80x128xf32, #tpu.memory_space<vmem>> -> memref<80x128xf32, #tpu.memory_space<vmem>>
      %dma_start3A_89 = tpu.memref_slice %arg7[%mul3A_83] : memref<10000xi32, #tpu.memory_space<vmem>> -> memref<80xi32, #tpu.memory_space<vmem>>
      %dma_start3A_90 = arith.constant 0 : i32
      %dma_start3A_91 = arith.constant 0 : i32
      %dma_start3A_92 = tpu.memref_slice %arg5[%dma_start3A_90, %dma_start3A_91] : memref<10000x128xf32, #tpu.memory_space<hbm>> -> memref<10000x128xf32, #tpu.memory_space<hbm>>
      tpu.enqueue_indirect_dma source(%dma_start3A_92 : memref<10000x128xf32, #tpu.memory_space<hbm>>) target(%dma_start3A_88 : memref<80x128xf32, #tpu.memory_space<vmem>>) offsets(%dma_start3A_89 : memref<80xi32, #tpu.memory_space<vmem>>) semaphore(%arg11 : memref<!tpu.dma_semaphore, #tpu.memory_space<semaphore_mem>>)
      %add3A_93 = arith.constant 1 : i32
      %add3A_94 = arith.addi %mul3A_50, %add3A_93 : i32
      %dma_wait3A_95 = arith.constant 1 : i32
      %dma_wait3A_96 = arith.constant 0 : i32
      %dma_wait3A_97 = arith.constant 0 : i32
      %dma_wait3A_98 = tpu.memref_slice %arg9[%dma_wait3A_95, %dma_wait3A_96, %dma_wait3A_97] : memref<2x80x128xf32, #tpu.memory_space<vmem>> -> memref<1x80x128xf32, #tpu.memory_space<vmem>>
      %dma_wait3A_99 = tpu.memref_squeeze %dma_wait3A_98 : memref<1x80x128xf32, #tpu.memory_space<vmem>> -> memref<80x128xf32, #tpu.memory_space<vmem>>
      %dma_wait3A_100 = arith.constant 0 : i32
      %dma_wait3A_101 = arith.constant 0 : i32
      %dma_wait3A_102 = tpu.memref_slice %arg5[%dma_wait3A_100, %dma_wait3A_101] : memref<10000x128xf32, #tpu.memory_space<hbm>> -> memref<80x128xf32, #tpu.memory_space<hbm>>
      %dma_wait3A_103 = arith.constant 0 : i32
      %dma_wait3A_104 = arith.constant 0 : i32
      %dma_wait3A_105 = tpu.memref_slice %arg9[%dma_wait3A_95, %dma_wait3A_103, %dma_wait3A_104] : memref<2x80x128xf32, #tpu.memory_space<vmem>> -> memref<1x80x128xf32, #tpu.memory_space<vmem>>
      %dma_wait3A_106 = tpu.memref_squeeze %dma_wait3A_105 : memref<1x80x128xf32, #tpu.memory_space<vmem>> -> memref<80x128xf32, #tpu.memory_space<vmem>>
      %dma_wait3A_107 = arith.constant 0 : i32
      %dma_wait3A_108 = arith.constant 0 : i32
      %dma_wait3A_109 = tpu.memref_slice %arg5[%dma_wait3A_107, %dma_wait3A_108] : memref<10000x128xf32, #tpu.memory_space<hbm>> -> memref<80x128xf32, #tpu.memory_space<hbm>>
      tpu.wait_dma2 semaphore(%arg12 : memref<!tpu.dma_semaphore, #tpu.memory_space<semaphore_mem>>) src(%dma_wait3A_109 : memref<80x128xf32, #tpu.memory_space<hbm>>) dst(%dma_wait3A_106 : memref<80x128xf32, #tpu.memory_space<vmem>>)
      %run_scoped3A_110 = arith.constant 1 : i32
      "tpu.region"() ({
        %run_scoped3A_111 = tpu.sem_alloc : memref<!tpu.dma_semaphore, #tpu.memory_space<semaphore_mem>>
        %dma_start3A_112 = arith.constant 0 : i32
        %dma_start3A_113 = arith.constant 0 : i32
        %dma_start3A_114 = tpu.memref_slice %arg9[%run_scoped3A_110, %dma_start3A_112, %dma_start3A_113] : memref<2x80x128xf32, #tpu.memory_space<vmem>> -> memref<1x80x128xf32, #tpu.memory_space<vmem>>
        %dma_start3A_115 = tpu.memref_squeeze %dma_start3A_114 : memref<1x80x128xf32, #tpu.memory_space<vmem>> -> memref<80x128xf32, #tpu.memory_space<vmem>>
        %dma_start3A_116 = arith.constant 0 : i32
        %dma_start3A_117 = tpu.memref_slice %arg8[%add3A_94, %dma_start3A_116] : memref<125x80xi32, #tpu.memory_space<vmem>> -> memref<1x80xi32, #tpu.memory_space<vmem>>
        %dma_start3A_118 = tpu.memref_squeeze %dma_start3A_117 : memref<1x80xi32, #tpu.memory_space<vmem>> -> memref<80xi32, #tpu.memory_space<vmem>>
        %dma_start3A_119 = arith.constant 0 : i32
        %dma_start3A_120 = arith.constant 0 : i32
        %dma_start3A_121 = tpu.memref_slice %arg10[%dma_start3A_119, %dma_start3A_120] : memref<10000x128xf32, #tpu.memory_space<vmem_shared>> -> memref<10000x128xf32, #tpu.memory_space<vmem_shared>>
        tpu.enqueue_indirect_dma source(%dma_start3A_115 : memref<80x128xf32, #tpu.memory_space<vmem>>) target(%dma_start3A_121 : memref<10000x128xf32, #tpu.memory_space<vmem_shared>>) offsets(%dma_start3A_118 : memref<80xi32, #tpu.memory_space<vmem>>) semaphore(%run_scoped3A_111 : memref<!tpu.dma_semaphore, #tpu.memory_space<semaphore_mem>>) {add = true}
        %dma_wait3A_122 = arith.constant 0 : i32
        %dma_wait3A_123 = arith.constant 0 : i32
        %dma_wait3A_124 = tpu.memref_slice %arg9[%run_scoped3A_110, %dma_wait3A_122, %dma_wait3A_123] : memref<2x80x128xf32, #tpu.memory_space<vmem>> -> memref<1x80x128xf32, #tpu.memory_space<vmem>>
        %dma_wait3A_125 = tpu.memref_squeeze %dma_wait3A_124 : memref<1x80x128xf32, #tpu.memory_space<vmem>> -> memref<80x128xf32, #tpu.memory_space<vmem>>
        %dma_wait3A_126 = arith.constant 0 : i32
        %dma_wait3A_127 = tpu.memref_slice %arg8[%add3A_94, %dma_wait3A_126] : memref<125x80xi32, #tpu.memory_space<vmem>> -> memref<1x80xi32, #tpu.memory_space<vmem>>
        %dma_wait3A_128 = tpu.memref_squeeze %dma_wait3A_127 : memref<1x80xi32, #tpu.memory_space<vmem>> -> memref<80xi32, #tpu.memory_space<vmem>>
        %dma_wait3A_129 = arith.constant 0 : i32
        %dma_wait3A_130 = arith.constant 0 : i32
        %dma_wait3A_131 = tpu.memref_slice %arg10[%dma_wait3A_129, %dma_wait3A_130] : memref<10000x128xf32, #tpu.memory_space<vmem_shared>> -> memref<10000x128xf32, #tpu.memory_space<vmem_shared>>
        tpu.wait_indirect_dma semaphore(%run_scoped3A_111 : memref<!tpu.dma_semaphore, #tpu.memory_space<semaphore_mem>>) src(%dma_wait3A_125 : memref<80x128xf32, #tpu.memory_space<vmem>>) dst(%dma_wait3A_131 : memref<10000x128xf32, #tpu.memory_space<vmem_shared>>)
        tpu.yield
      }) : () -> ()
    }
    %scan3A_26 = arith.constant 62 : i32
    %dma_wait3A = arith.constant 0 : i32
    %dma_wait3A_27 = arith.constant 0 : i32
    %dma_wait3A_28 = arith.constant 0 : i32
    %dma_wait3A_29 = tpu.memref_slice %arg9[%dma_wait3A, %dma_wait3A_27, %dma_wait3A_28] : memref<2x80x128xf32, #tpu.memory_space<vmem>> -> memref<1x80x128xf32, #tpu.memory_space<vmem>>
    %dma_wait3A_30 = tpu.memref_squeeze %dma_wait3A_29 : memref<1x80x128xf32, #tpu.memory_space<vmem>> -> memref<80x128xf32, #tpu.memory_space<vmem>>
    %dma_wait3A_31 = arith.constant 0 : i32
    %dma_wait3A_32 = arith.constant 0 : i32
    %dma_wait3A_33 = tpu.memref_slice %arg5[%dma_wait3A_31, %dma_wait3A_32] : memref<10000x128xf32, #tpu.memory_space<hbm>> -> memref<80x128xf32, #tpu.memory_space<hbm>>
    %dma_wait3A_34 = arith.constant 0 : i32
    %dma_wait3A_35 = arith.constant 0 : i32
    %dma_wait3A_36 = tpu.memref_slice %arg9[%dma_wait3A, %dma_wait3A_34, %dma_wait3A_35] : memref<2x80x128xf32, #tpu.memory_space<vmem>> -> memref<1x80x128xf32, #tpu.memory_space<vmem>>
    %dma_wait3A_37 = tpu.memref_squeeze %dma_wait3A_36 : memref<1x80x128xf32, #tpu.memory_space<vmem>> -> memref<80x128xf32, #tpu.memory_space<vmem>>
    %dma_wait3A_38 = arith.constant 0 : i32
    %dma_wait3A_39 = arith.constant 0 : i32
    %dma_wait3A_40 = tpu.memref_slice %arg5[%dma_wait3A_38, %dma_wait3A_39] : memref<10000x128xf32, #tpu.memory_space<hbm>> -> memref<80x128xf32, #tpu.memory_space<hbm>>
    tpu.wait_dma2 semaphore(%arg11 : memref<!tpu.dma_semaphore, #tpu.memory_space<semaphore_mem>>) src(%dma_wait3A_40 : memref<80x128xf32, #tpu.memory_space<hbm>>) dst(%dma_wait3A_37 : memref<80x128xf32, #tpu.memory_space<vmem>>)
    %run_scoped3A = arith.constant 0 : i32
    %run_scoped3A_41 = arith.constant 124 : i32
    "tpu.region"() ({
      %run_scoped3A_48 = tpu.sem_alloc : memref<!tpu.dma_semaphore, #tpu.memory_space<semaphore_mem>>
      %dma_start3A_49 = arith.constant 0 : i32
      %dma_start3A_50 = arith.constant 0 : i32
      %dma_start3A_51 = tpu.memref_slice %arg9[%run_scoped3A, %dma_start3A_49, %dma_start3A_50] : memref<2x80x128xf32, #tpu.memory_space<vmem>> -> memref<1x80x128xf32, #tpu.memory_space<vmem>>
      %dma_start3A_52 = tpu.memref_squeeze %dma_start3A_51 : memref<1x80x128xf32, #tpu.memory_space<vmem>> -> memref<80x128xf32, #tpu.memory_space<vmem>>
      %dma_start3A_53 = arith.constant 0 : i32
      %dma_start3A_54 = tpu.memref_slice %arg8[%run_scoped3A_41, %dma_start3A_53] : memref<125x80xi32, #tpu.memory_space<vmem>> -> memref<1x80xi32, #tpu.memory_space<vmem>>
      %dma_start3A_55 = tpu.memref_squeeze %dma_start3A_54 : memref<1x80xi32, #tpu.memory_space<vmem>> -> memref<80xi32, #tpu.memory_space<vmem>>
      %dma_start3A_56 = arith.constant 0 : i32
      %dma_start3A_57 = arith.constant 0 : i32
      %dma_start3A_58 = tpu.memref_slice %arg10[%dma_start3A_56, %dma_start3A_57] : memref<10000x128xf32, #tpu.memory_space<vmem_shared>> -> memref<10000x128xf32, #tpu.memory_space<vmem_shared>>
      tpu.enqueue_indirect_dma source(%dma_start3A_52 : memref<80x128xf32, #tpu.memory_space<vmem>>) target(%dma_start3A_58 : memref<10000x128xf32, #tpu.memory_space<vmem_shared>>) offsets(%dma_start3A_55 : memref<80xi32, #tpu.memory_space<vmem>>) semaphore(%run_scoped3A_48 : memref<!tpu.dma_semaphore, #tpu.memory_space<semaphore_mem>>) {add = true}
      %dma_wait3A_59 = arith.constant 0 : i32
      %dma_wait3A_60 = arith.constant 0 : i32
      %dma_wait3A_61 = tpu.memref_slice %arg9[%run_scoped3A, %dma_wait3A_59, %dma_wait3A_60] : memref<2x80x128xf32, #tpu.memory_space<vmem>> -> memref<1x80x128xf32, #tpu.memory_space<vmem>>
      %dma_wait3A_62 = tpu.memref_squeeze %dma_wait3A_61 : memref<1x80x128xf32, #tpu.memory_space<vmem>> -> memref<80x128xf32, #tpu.memory_space<vmem>>
      %dma_wait3A_63 = arith.constant 0 : i32
      %dma_wait3A_64 = tpu.memref_slice %arg8[%run_scoped3A_41, %dma_wait3A_63] : memref<125x80xi32, #tpu.memory_space<vmem>> -> memref<1x80xi32, #tpu.memory_space<vmem>>
      %dma_wait3A_65 = tpu.memref_squeeze %dma_wait3A_64 : memref<1x80xi32, #tpu.memory_space<vmem>> -> memref<80xi32, #tpu.memory_space<vmem>>
      %dma_wait3A_66 = arith.constant 0 : i32
      %dma_wait3A_67 = arith.constant 0 : i32
      %dma_wait3A_68 = tpu.memref_slice %arg10[%dma_wait3A_66, %dma_wait3A_67] : memref<10000x128xf32, #tpu.memory_space<vmem_shared>> -> memref<10000x128xf32, #tpu.memory_space<vmem_shared>>
      tpu.wait_indirect_dma semaphore(%run_scoped3A_48 : memref<!tpu.dma_semaphore, #tpu.memory_space<semaphore_mem>>) src(%dma_wait3A_62 : memref<80x128xf32, #tpu.memory_space<vmem>>) dst(%dma_wait3A_68 : memref<10000x128xf32, #tpu.memory_space<vmem_shared>>)
      tpu.yield
    }) : () -> ()
    %barrier3A_42 = arith.constant 0 : index
    tpu.barrier barrier_id(%barrier3A_42)
    %lt3A_43 = arith.constant 10 : i32
    %lt3A_44 = arith.cmpi slt, %arg1, %lt3A_43 : i32
    %convert_element_type3A_45 = arith.extui %lt3A_44 : i1 to i32
    %cond3A_46 = arith.constant 0 : i32
    %cond3A_47 = arith.cmpi ne, %convert_element_type3A_45, %cond3A_46 : i32
    scf.if %cond3A_47 {
      %mul3A_48 = arith.constant 1000 : i32
      %mul3A_49 = arith.muli %arg1, %mul3A_48 : i32
      %mul3A_50 = arith.constant 10000 : i32
      %mul3A_51 = arith.muli %arg0, %mul3A_50 : i32
      %add3A_52 = arith.addi %mul3A_51, %mul3A_49 : i32
      "tpu.region"() ({
        %run_scoped3A_53 = tpu.sem_alloc : memref<!tpu.dma_semaphore, #tpu.memory_space<semaphore_mem>>
        %dma_start3A_54 = arith.constant 0 : i32
        %dma_start3A_55 = tpu.memref_slice %arg6[%add3A_52, %dma_start3A_54] : memref<20000x128xf32, #tpu.memory_space<hbm>> -> memref<1000x128xf32, #tpu.memory_space<hbm>>
        %dma_start3A_56 = arith.constant 0 : i32
        %dma_start3A_57 = tpu.memref_slice %arg10[%mul3A_49, %dma_start3A_56] : memref<10000x128xf32, #tpu.memory_space<vmem_shared>> -> memref<1000x128xf32, #tpu.memory_space<vmem_shared>>
        tpu.enqueue_dma source(%dma_start3A_57 : memref<1000x128xf32, #tpu.memory_space<vmem_shared>>) target(%dma_start3A_55 : memref<1000x128xf32, #tpu.memory_space<hbm>>) target_semaphore(%run_scoped3A_53 : memref<!tpu.dma_semaphore, #tpu.memory_space<semaphore_mem>>)
        %dma_wait3A_58 = arith.constant 0 : i32
        %dma_wait3A_59 = tpu.memref_slice %arg6[%add3A_52, %dma_wait3A_58] : memref<20000x128xf32, #tpu.memory_space<hbm>> -> memref<1000x128xf32, #tpu.memory_space<hbm>>
        %dma_wait3A_60 = arith.constant 0 : i32
        %dma_wait3A_61 = tpu.memref_slice %arg10[%mul3A_49, %dma_wait3A_60] : memref<10000x128xf32, #tpu.memory_space<vmem_shared>> -> memref<1000x128xf32, #tpu.memory_space<vmem_shared>>
        tpu.wait_dma2 semaphore(%run_scoped3A_53 : memref<!tpu.dma_semaphore, #tpu.memory_space<semaphore_mem>>) src(%dma_wait3A_61 : memref<1000x128xf32, #tpu.memory_space<vmem_shared>>) dst(%dma_wait3A_59 : memref<1000x128xf32, #tpu.memory_space<hbm>>)
        tpu.yield
      }) : () -> ()
    } else {
    }
    return
  }
}

module attributes {stable_mosaic.version = 14 : i64} {
  func.func @body(%arg0: i32, %arg1: memref<2000x128xf32, #tpu.memory_space<vmem>>, %arg2: memref<128x128xf32, #tpu.memory_space<vmem>>, %arg3: memref<2000x2xf32, #tpu.memory_space<vmem>>, %arg4: memref<2000x128xf32, #tpu.memory_space<vmem>>, %arg5: memref<2000x1xf32, #tpu.memory_space<vmem>>) attributes {dimension_semantics = [#tpu.dimension_semantics<arbitrary>], iteration_bounds = array<i64: 5>, scalar_prefetch = 0 : i64, scratch_operands = 0 : i64, tpu.core_type = #tpu.core_type<tc>, window_params = [{transform_indices = @transform_0, window_bounds = array<i64: 2000, 128>}, {pipeline_mode = #tpu.pipeline_mode<synchronous>, transform_indices = @transform_1, window_bounds = array<i64: 128, 128>}, {transform_indices = @transform_2, window_bounds = array<i64: 2000, 2>}, {transform_indices = @transform_3, window_bounds = array<i64: 2000, 128>}, {transform_indices = @transform_4, window_bounds = array<i64: 2000, 1>}]} {
    %get3A = arith.constant 0 : index
    %get3A_0 = arith.constant 0 : index
    %get3A_1 = vector.load %arg3[%get3A, %get3A_0] : memref<2000x2xf32, #tpu.memory_space<vmem>>, vector<2000x1xf32>
    %get3A_2 = arith.constant 0 : index
    %get3A_3 = arith.constant 1 : index
    %get3A_4 = vector.load %arg3[%get3A_2, %get3A_3] : memref<2000x2xf32, #tpu.memory_space<vmem>>, vector<2000x1xf32>
    %add3A = arith.addf %get3A_1, %get3A_4 : vector<2000x1xf32>
    %add3A_5 = arith.constant 1.000000e+00 : f32
    %add3A_6 = vector.broadcast %add3A_5 : f32 to vector<2000x1xf32>
    %add3A_7 = arith.addf %add3A, %add3A_6 : vector<2000x1xf32>
    %rsqrt3A = math.rsqrt %add3A_7 : vector<2000x1xf32>
    %get3A_8 = arith.constant 0 : index
    %get3A_9 = arith.constant 0 : index
    %get3A_10 = vector.load %arg1[%get3A_8, %get3A_9] : memref<2000x128xf32, #tpu.memory_space<vmem>>, vector<2000x128xf32>
    %get3A_11 = arith.constant 0 : index
    %get3A_12 = arith.constant 0 : index
    %get3A_13 = vector.load %arg2[%get3A_11, %get3A_12] : memref<128x128xf32, #tpu.memory_space<vmem>>, vector<128x128xf32>
    %dot_general3A = arith.constant dense<0.000000e+00> : vector<2000x128xf32>
    %dot_general3A_14 = tpu.matmul %get3A_10, %get3A_13, %dot_general3A {dimension_numbers = #tpu.dot_dimension_numbers<[1], [0], [0], [1], [0, 0, 1, 1], [], []>, transpose_lhs_hint = false} : vector<2000x128xf32>, vector<128x128xf32>, vector<2000x128xf32> -> vector<2000x128xf32>
    %mul3A = vector.broadcast %rsqrt3A : vector<2000x1xf32> to vector<2000x128xf32>
    %mul3A_15 = arith.mulf %mul3A, %dot_general3A_14 : vector<2000x128xf32>
    %swap3A = arith.constant 0 : index
    %swap3A_16 = arith.constant 0 : index
    %swap3A_17 = vector.load %arg4[%swap3A, %swap3A_16] : memref<2000x128xf32, #tpu.memory_space<vmem>>, vector<2000x128xf32>
    tpu.vector_store %arg4[%swap3A, %swap3A_16], %mul3A_15 {strides = array<i32>} : memref<2000x128xf32, #tpu.memory_space<vmem>>, vector<2000x128xf32>,
    %swap3A_18 = arith.constant 0 : index
    %swap3A_19 = arith.constant 0 : index
    %swap3A_20 = vector.load %arg5[%swap3A_18, %swap3A_19] : memref<2000x1xf32, #tpu.memory_space<vmem>>, vector<2000x1xf32>
    tpu.vector_store %arg5[%swap3A_18, %swap3A_19], %rsqrt3A {strides = array<i32>} : memref<2000x1xf32, #tpu.memory_space<vmem>>, vector<2000x1xf32>,
    return
  }
  func.func @transform_0(%arg0: i32) -> (i32, i32) {
    %c0_i32 = arith.constant 0 : i32
    %c0_i32_0 = arith.constant 0 : i32
    return %arg0, %c0_i32 : i32, i32
  }
  func.func @transform_1(%arg0: i32) -> (i32, i32) {
    %c0_i32 = arith.constant 0 : i32
    %c0_i32_0 = arith.constant 0 : i32
    %c0_i32_1 = arith.constant 0 : i32
    return %c0_i32, %c0_i32_0 : i32, i32
  }
  func.func @transform_2(%arg0: i32) -> (i32, i32) {
    %c0_i32 = arith.constant 0 : i32
    %c0_i32_0 = arith.constant 0 : i32
    return %arg0, %c0_i32 : i32, i32
  }
  func.func @transform_3(%arg0: i32) -> (i32, i32) {
    %c0_i32 = arith.constant 0 : i32
    %c0_i32_0 = arith.constant 0 : i32
    return %arg0, %c0_i32 : i32, i32
  }
  func.func @transform_4(%arg0: i32) -> (i32, i32) {
    %c0_i32 = arith.constant 0 : i32
    %c0_i32_0 = arith.constant 0 : i32
    return %arg0, %c0_i32 : i32, i32
  }
}

module attributes {stable_mosaic.version = 14 : i64} {
  func.func @body(%arg0: i32, %arg1: memref<2000x128xf32, #tpu.memory_space<vmem>>, %arg2: memref<2000x128xf32, #tpu.memory_space<vmem>>, %arg3: memref<2000x1xf32, #tpu.memory_space<vmem>>, %arg4: memref<1x128xf32, #tpu.memory_space<vmem>>, %arg5: memref<128x128xf32, #tpu.memory_space<vmem>>, %arg6: memref<2000x128xf32, #tpu.memory_space<vmem>>) attributes {dimension_semantics = [#tpu.dimension_semantics<arbitrary>], iteration_bounds = array<i64: 5>, scalar_prefetch = 0 : i64, scratch_operands = 0 : i64, tpu.core_type = #tpu.core_type<tc>, window_params = [{transform_indices = @transform_0, window_bounds = array<i64: 2000, 128>}, {transform_indices = @transform_1, window_bounds = array<i64: 2000, 128>}, {transform_indices = @transform_2, window_bounds = array<i64: 2000, 1>}, {pipeline_mode = #tpu.pipeline_mode<synchronous>, transform_indices = @transform_3, window_bounds = array<i64: 1, 128>}, {pipeline_mode = #tpu.pipeline_mode<synchronous>, transform_indices = @transform_4, window_bounds = array<i64: 128, 128>}, {transform_indices = @transform_5, window_bounds = array<i64: 2000, 128>}]} {
    %get3A = arith.constant 0 : index
    %get3A_0 = arith.constant 0 : index
    %get3A_1 = vector.load %arg3[%get3A, %get3A_0] : memref<2000x1xf32, #tpu.memory_space<vmem>>, vector<2000x1xf32>
    %get3A_2 = arith.constant 0 : index
    %get3A_3 = arith.constant 0 : index
    %get3A_4 = vector.load %arg1[%get3A_2, %get3A_3] : memref<2000x128xf32, #tpu.memory_space<vmem>>, vector<2000x128xf32>
    %get3A_5 = arith.constant 0 : index
    %get3A_6 = arith.constant 0 : index
    %get3A_7 = vector.load %arg2[%get3A_5, %get3A_6] : memref<2000x128xf32, #tpu.memory_space<vmem>>, vector<2000x128xf32>
    %add3A = arith.addf %get3A_4, %get3A_7 : vector<2000x128xf32>
    %mul3A = vector.broadcast %get3A_1 : vector<2000x1xf32> to vector<2000x128xf32>
    %mul3A_8 = arith.mulf %mul3A, %add3A : vector<2000x128xf32>
    %get3A_9 = arith.constant 0 : index
    %get3A_10 = arith.constant 0 : index
    %get3A_11 = vector.load %arg4[%get3A_9, %get3A_10] : memref<1x128xf32, #tpu.memory_space<vmem>>, vector<1x128xf32>
    %add3A_12 = vector.broadcast %get3A_11 : vector<1x128xf32> to vector<2000x128xf32>
    %add3A_13 = arith.addf %mul3A_8, %add3A_12 : vector<2000x128xf32>
    %max3A = arith.constant 0.000000e+00 : f32
    %max3A_14 = vector.broadcast %max3A : f32 to vector<2000x128xf32>
    %max3A_15 = arith.maximumf %add3A_13, %max3A_14 : vector<2000x128xf32>
    %get3A_16 = arith.constant 0 : index
    %get3A_17 = arith.constant 0 : index
    %get3A_18 = vector.load %arg5[%get3A_16, %get3A_17] : memref<128x128xf32, #tpu.memory_space<vmem>>, vector<128x128xf32>
    %dot_general3A = arith.constant dense<0.000000e+00> : vector<2000x128xf32>
    %dot_general3A_19 = tpu.matmul %max3A_15, %get3A_18, %dot_general3A {dimension_numbers = #tpu.dot_dimension_numbers<[1], [0], [0], [1], [0, 0, 1, 1], [], []>, transpose_lhs_hint = false} : vector<2000x128xf32>, vector<128x128xf32>, vector<2000x128xf32> -> vector<2000x128xf32>
    %mul3A_20 = vector.broadcast %get3A_1 : vector<2000x1xf32> to vector<2000x128xf32>
    %mul3A_21 = arith.mulf %mul3A_20, %dot_general3A_19 : vector<2000x128xf32>
    %swap3A = arith.constant 0 : index
    %swap3A_22 = arith.constant 0 : index
    %swap3A_23 = vector.load %arg6[%swap3A, %swap3A_22] : memref<2000x128xf32, #tpu.memory_space<vmem>>, vector<2000x128xf32>
    tpu.vector_store %arg6[%swap3A, %swap3A_22], %mul3A_21 {strides = array<i32>} : memref<2000x128xf32, #tpu.memory_space<vmem>>, vector<2000x128xf32>,
    return
  }
  func.func @transform_0(%arg0: i32) -> (i32, i32) {
    %c0_i32 = arith.constant 0 : i32
    %c0_i32_0 = arith.constant 0 : i32
    return %arg0, %c0_i32 : i32, i32
  }
  func.func @transform_1(%arg0: i32) -> (i32, i32) {
    %add3A = arith.constant 5 : i32
    %add3A_0 = arith.addi %arg0, %add3A : i32
    %c0_i32 = arith.constant 0 : i32
    %c0_i32_1 = arith.constant 0 : i32
    return %add3A_0, %c0_i32 : i32, i32
  }
  func.func @transform_2(%arg0: i32) -> (i32, i32) {
    %c0_i32 = arith.constant 0 : i32
    %c0_i32_0 = arith.constant 0 : i32
    return %arg0, %c0_i32 : i32, i32
  }
  func.func @transform_3(%arg0: i32) -> (i32, i32) {
    %c0_i32 = arith.constant 0 : i32
    %c0_i32_0 = arith.constant 0 : i32
    %c0_i32_1 = arith.constant 0 : i32
    return %c0_i32, %c0_i32_0 : i32, i32
  }
  func.func @transform_4(%arg0: i32) -> (i32, i32) {
    %c0_i32 = arith.constant 0 : i32
    %c0_i32_0 = arith.constant 0 : i32
    %c0_i32_1 = arith.constant 0 : i32
    return %c0_i32, %c0_i32_0 : i32, i32
  }
  func.func @transform_5(%arg0: i32) -> (i32, i32) {
    %c0_i32 = arith.constant 0 : i32
    %c0_i32_0 = arith.constant 0 : i32
    return %arg0, %c0_i32 : i32, i32
  }
}

module attributes {stable_mosaic.version = 14 : i64} {
  func.func @body(%arg0: i32, %arg1: memref<2000x128xf32, #tpu.memory_space<vmem>>, %arg2: memref<2000x128xf32, #tpu.memory_space<vmem>>, %arg3: memref<2000x1xf32, #tpu.memory_space<vmem>>, %arg4: memref<1x128xf32, #tpu.memory_space<vmem>>, %arg5: memref<128x128xf32, #tpu.memory_space<vmem>>, %arg6: memref<2000x1xi32, #tpu.memory_space<vmem>>, %arg7: memref<1x40xf32, #tpu.memory_space<vmem>>, %arg8: memref<64x40xf32, #tpu.memory_space<vmem>>, %arg9: memref<64x128xf32, #tpu.memory_space<vmem>>) attributes {dimension_semantics = [#tpu.dimension_semantics<arbitrary>], iteration_bounds = array<i64: 5>, scalar_prefetch = 0 : i64, scratch_operands = 1 : i64, tpu.core_type = #tpu.core_type<tc>, window_params = [{transform_indices = @transform_0, window_bounds = array<i64: 2000, 128>}, {transform_indices = @transform_1, window_bounds = array<i64: 2000, 128>}, {transform_indices = @transform_2, window_bounds = array<i64: 2000, 1>}, {pipeline_mode = #tpu.pipeline_mode<synchronous>, transform_indices = @transform_3, window_bounds = array<i64: 1, 128>}, {pipeline_mode = #tpu.pipeline_mode<synchronous>, transform_indices = @transform_4, window_bounds = array<i64: 128, 128>}, {transform_indices = @transform_5, window_bounds = array<i64: 2000, 1>}, {pipeline_mode = #tpu.pipeline_mode<synchronous>, transform_indices = @transform_6, window_bounds = array<i64: 1, 40>}, {pipeline_mode = #tpu.pipeline_mode<synchronous>, transform_indices = @transform_7, window_bounds = array<i64: 64, 40>}]} {
    %get3A = arith.constant 0 : index
    %get3A_0 = arith.constant 0 : index
    %get3A_1 = vector.load %arg3[%get3A, %get3A_0] : memref<2000x1xf32, #tpu.memory_space<vmem>>, vector<2000x1xf32>
    %get3A_2 = arith.constant 0 : index
    %get3A_3 = arith.constant 0 : index
    %get3A_4 = vector.load %arg1[%get3A_2, %get3A_3] : memref<2000x128xf32, #tpu.memory_space<vmem>>, vector<2000x128xf32>
    %get3A_5 = arith.constant 0 : index
    %get3A_6 = arith.constant 0 : index
    %get3A_7 = vector.load %arg2[%get3A_5, %get3A_6] : memref<2000x128xf32, #tpu.memory_space<vmem>>, vector<2000x128xf32>
    %add3A = arith.addf %get3A_4, %get3A_7 : vector<2000x128xf32>
    %mul3A = vector.broadcast %get3A_1 : vector<2000x1xf32> to vector<2000x128xf32>
    %mul3A_8 = arith.mulf %mul3A, %add3A : vector<2000x128xf32>
    %get3A_9 = arith.constant 0 : index
    %get3A_10 = arith.constant 0 : index
    %get3A_11 = vector.load %arg4[%get3A_9, %get3A_10] : memref<1x128xf32, #tpu.memory_space<vmem>>, vector<1x128xf32>
    %add3A_12 = vector.broadcast %get3A_11 : vector<1x128xf32> to vector<2000x128xf32>
    %add3A_13 = arith.addf %mul3A_8, %add3A_12 : vector<2000x128xf32>
    %get3A_14 = arith.constant 0 : index
    %get3A_15 = arith.constant 0 : index
    %get3A_16 = vector.load %arg5[%get3A_14, %get3A_15] : memref<128x128xf32, #tpu.memory_space<vmem>>, vector<128x128xf32>
    %dot_general3A = arith.constant dense<0.000000e+00> : vector<2000x128xf32>
    %dot_general3A_17 = tpu.matmul %add3A_13, %get3A_16, %dot_general3A {dimension_numbers = #tpu.dot_dimension_numbers<[1], [0], [0], [1], [0, 0, 1, 1], [], []>, transpose_lhs_hint = false} : vector<2000x128xf32>, vector<128x128xf32>, vector<2000x128xf32> -> vector<2000x128xf32>
    %iota3A = tpu.iota {dimensions = array<i32: 1>} : vector<1x128xi32>
    %eq3A = arith.constant 40 : i32
    %eq3A_18 = vector.broadcast %eq3A : i32 to vector<1x128xi32>
    %eq3A_19 = arith.cmpi eq, %iota3A, %eq3A_18 : vector<1x128xi32>
    %convert_element_type3A = arith.extui %eq3A_19 : vector<1x128xi1> to vector<1x128xi32>
    %convert_element_type3A_20 = arith.sitofp %convert_element_type3A : vector<1x128xi32> to vector<1x128xf32>
    %add3A_21 = vector.broadcast %convert_element_type3A_20 : vector<1x128xf32> to vector<2000x128xf32>
    %add3A_22 = arith.addf %dot_general3A_17, %add3A_21 : vector<2000x128xf32>
    %get3A_23 = arith.constant 0 : index
    %get3A_24 = arith.constant 0 : index
    %get3A_25 = vector.load %arg6[%get3A_23, %get3A_24] : memref<2000x1xi32, #tpu.memory_space<vmem>>, vector<2000x1xi32>
    %iota3A_26 = tpu.iota {dimensions = array<i32: 1>} : vector<2000x64xi32>
    %eq3A_27 = vector.broadcast %get3A_25 : vector<2000x1xi32> to vector<2000x64xi32>
    %eq3A_28 = arith.cmpi eq, %eq3A_27, %iota3A_26 : vector<2000x64xi32>
    %convert_element_type3A_29 = arith.extui %eq3A_28 : vector<2000x64xi1> to vector<2000x64xi32>
    %convert_element_type3A_30 = arith.sitofp %convert_element_type3A_29 : vector<2000x64xi32> to vector<2000x64xf32>
    %dot_general3A_31 = arith.constant dense<0.000000e+00> : vector<64x128xf32>
    %dot_general3A_32 = tpu.matmul %convert_element_type3A_30, %add3A_22, %dot_general3A_31 {dimension_numbers = #tpu.dot_dimension_numbers<[0], [0], [1], [1], [0, 1, 1, 1], [], []>, transpose_lhs_hint = false} : vector<2000x64xf32>, vector<2000x128xf32>, vector<64x128xf32> -> vector<64x128xf32>
    %eq3A_33 = arith.constant 0 : i32
    %eq3A_34 = arith.cmpi eq, %arg0, %eq3A_33 : i32
    %convert_element_type3A_35 = arith.extui %eq3A_34 : i1 to i32
    %cond3A = arith.constant 0 : i32
    %cond3A_36 = arith.cmpi ne, %convert_element_type3A_35, %cond3A : i32
    scf.if %cond3A_36 {
      %swap3A = arith.constant 0 : index
      %swap3A_46 = arith.constant 0 : index
      %swap3A_47 = vector.load %arg9[%swap3A, %swap3A_46] : memref<64x128xf32, #tpu.memory_space<vmem>>, vector<64x128xf32>
      tpu.vector_store %arg9[%swap3A, %swap3A_46], %dot_general3A_32 {strides = array<i32>} : memref<64x128xf32, #tpu.memory_space<vmem>>, vector<64x128xf32>,
    } else {
    }
    %gt3A = arith.constant 0 : i32
    %gt3A_37 = arith.cmpi sgt, %arg0, %gt3A : i32
    %convert_element_type3A_38 = arith.extui %gt3A_37 : i1 to i32
    %cond3A_39 = arith.constant 0 : i32
    %cond3A_40 = arith.cmpi ne, %convert_element_type3A_38, %cond3A_39 : i32
    scf.if %cond3A_40 {
      %get3A_46 = arith.constant 0 : index
      %get3A_47 = arith.constant 0 : index
      %get3A_48 = vector.load %arg9[%get3A_46, %get3A_47] : memref<64x128xf32, #tpu.memory_space<vmem>>, vector<64x128xf32>
      %add3A_49 = arith.addf %get3A_48, %dot_general3A_32 : vector<64x128xf32>
      %swap3A = arith.constant 0 : index
      %swap3A_50 = arith.constant 0 : index
      %swap3A_51 = vector.load %arg9[%swap3A, %swap3A_50] : memref<64x128xf32, #tpu.memory_space<vmem>>, vector<64x128xf32>
      tpu.vector_store %arg9[%swap3A, %swap3A_50], %add3A_49 {strides = array<i32>} : memref<64x128xf32, #tpu.memory_space<vmem>>, vector<64x128xf32>,
    } else {
    }
    %eq3A_41 = arith.constant 4 : i32
    %eq3A_42 = arith.cmpi eq, %arg0, %eq3A_41 : i32
    %convert_element_type3A_43 = arith.extui %eq3A_42 : i1 to i32
    %cond3A_44 = arith.constant 0 : i32
    %cond3A_45 = arith.cmpi ne, %convert_element_type3A_43, %cond3A_44 : i32
    scf.if %cond3A_45 {
      %get3A_46 = arith.constant 0 : index
      %get3A_47 = arith.constant 40 : index
      %get3A_48 = vector.load %arg9[%get3A_46, %get3A_47] : memref<64x128xf32, #tpu.memory_space<vmem>>, vector<64x1xf32>
      %max3A = arith.constant 1.000000e+00 : f32
      %max3A_49 = vector.broadcast %max3A : f32 to vector<64x1xf32>
      %max3A_50 = arith.maximumf %get3A_48, %max3A_49 : vector<64x1xf32>
      %get3A_51 = arith.constant 0 : index
      %get3A_52 = arith.constant 0 : index
      %get3A_53 = vector.load %arg9[%get3A_51, %get3A_52] : memref<64x128xf32, #tpu.memory_space<vmem>>, vector<64x40xf32>
      %div3A = vector.broadcast %max3A_50 : vector<64x1xf32> to vector<64x40xf32>
      %div3A_54 = arith.divf %get3A_53, %div3A : vector<64x40xf32>
      %get3A_55 = arith.constant 0 : index
      %get3A_56 = arith.constant 0 : index
      %get3A_57 = vector.load %arg7[%get3A_55, %get3A_56] : memref<1x40xf32, #tpu.memory_space<vmem>>, vector<1x40xf32>
      %add3A_58 = vector.broadcast %get3A_57 : vector<1x40xf32> to vector<64x40xf32>
      %add3A_59 = arith.addf %div3A_54, %add3A_58 : vector<64x40xf32>
      %swap3A = arith.constant 0 : index
      %swap3A_60 = arith.constant 0 : index
      %swap3A_61 = vector.load %arg8[%swap3A, %swap3A_60] : memref<64x40xf32, #tpu.memory_space<vmem>>, vector<64x40xf32>
      tpu.vector_store %arg8[%swap3A, %swap3A_60], %add3A_59 {strides = array<i32>} : memref<64x40xf32, #tpu.memory_space<vmem>>, vector<64x40xf32>,
    } else {
    }
    return
  }
  func.func @transform_0(%arg0: i32) -> (i32, i32) {
    %c0_i32 = arith.constant 0 : i32
    %c0_i32_0 = arith.constant 0 : i32
    return %arg0, %c0_i32 : i32, i32
  }
  func.func @transform_1(%arg0: i32) -> (i32, i32) {
    %add3A = arith.constant 5 : i32
    %add3A_0 = arith.addi %arg0, %add3A : i32
    %c0_i32 = arith.constant 0 : i32
    %c0_i32_1 = arith.constant 0 : i32
    return %add3A_0, %c0_i32 : i32, i32
  }
  func.func @transform_2(%arg0: i32) -> (i32, i32) {
    %c0_i32 = arith.constant 0 : i32
    %c0_i32_0 = arith.constant 0 : i32
    return %arg0, %c0_i32 : i32, i32
  }
  func.func @transform_3(%arg0: i32) -> (i32, i32) {
    %c0_i32 = arith.constant 0 : i32
    %c0_i32_0 = arith.constant 0 : i32
    %c0_i32_1 = arith.constant 0 : i32
    return %c0_i32, %c0_i32_0 : i32, i32
  }
  func.func @transform_4(%arg0: i32) -> (i32, i32) {
    %c0_i32 = arith.constant 0 : i32
    %c0_i32_0 = arith.constant 0 : i32
    %c0_i32_1 = arith.constant 0 : i32
    return %c0_i32, %c0_i32_0 : i32, i32
  }
  func.func @transform_5(%arg0: i32) -> (i32, i32) {
    %c0_i32 = arith.constant 0 : i32
    %c0_i32_0 = arith.constant 0 : i32
    return %arg0, %c0_i32 : i32, i32
  }
  func.func @transform_6(%arg0: i32) -> (i32, i32) {
    %c0_i32 = arith.constant 0 : i32
    %c0_i32_0 = arith.constant 0 : i32
    %c0_i32_1 = arith.constant 0 : i32
    return %c0_i32, %c0_i32_0 : i32, i32
  }
  func.func @transform_7(%arg0: i32) -> (i32, i32) {
    %c0_i32 = arith.constant 0 : i32
    %c0_i32_0 = arith.constant 0 : i32
    %c0_i32_1 = arith.constant 0 : i32
    return %c0_i32, %c0_i32_0 : i32, i32
  }
}

</mosaic_0001>

<sc_bundles>
// kernel: kernel.11.cloned.1.call-start
scs
__scs_entry_jumppad:
0x0: {  	(pc) =	sbr.rel $0x88, $3  }
0x1: {  	(tag) =	ssettag $0x0;
	lr =	simm.s32 $0x1  }
0x2: {  	[smem:$0x3F98] =	sst lr;
	_ =	strace $0xD0000000  }
0x3: {  	_ = 	snop  }
0x4: {  	_ = 	snop  }
0x5: {  	_ = 	snop  }
0x6: {  	_ = 	snop  }
0x7: {  	_ = 	snop  }
__scs_overlays_trampoline_lowered:
0x8: {  	[smem:$0x3FA7] =	sst s0  }
0x9: {  	[smem:$0x3FA8] =	sst s1  }
0xa: {  	[smem:$0x3FA9] =	sst s2  }
0xb: {  	[smem:$0x3FAA] =	sst s3  }
0xc: {  	[smem:$0x3FAB] =	sst s4  }
0xd: {  	[smem:$0x3FAC] =	sst s5  }
0xe: {  	[smem:$0x3FAD] =	sst s6  }
0xf: {  	[smem:$0x3FAE] =	sst s7  }
0x10: {  	[smem:$0x3FAF] =	sst s8  }
0x11: {  	[smem:$0x3FB0] =	sst s9;
	s0 =	simm.s32 @!p0 $0x0  }
0x12: {  	s1 =	sld [smem:$0x3F96];
	s0 =	simm.s32 @p0 $0x1  }
0x13: {  	[smem:$0x3FB1] =	sst s0;
	s0 =	simm.s32 @!p1 $0x0  }
0x14: {  	s2 =	sld [smem:$0x3F95];
	s0 =	simm.s32 @p1 $0x1  }
0x15: {  	[smem:$0x3FB2] =	sst s0;
	s0 =	simm.s32 @!p2 $0x0  }
0x16: {  	s3 =	sld [smem:$0x3FDB];
	s0 =	simm.s32 @p2 $0x1  }
0x17: {  	s4 =	simm.s32 $0x1BF5;
	[smem:$0x3FB4] =	sst s0  }
0x18: {  	s0 =	sld [smem:$0x3F97];
	_ =	swait.ge [sflag:s4], $0x0  }
0x19: {  	s7 =	sld [smem:$0x3F98]  }
0x1a: {  	s8 =	sadd.s32 $0xFFFFE003, lr  }
0x1b: {  	s9 =	sadd.s32 $0xFFFFFEF7, lr;
	s5 =	simm.s32 $0xFFFFFFFF;
	p2 =	slt.u32 s8, $0xFFFFF086  }
0x1c: {  	p1 =	slt.u32 s9, $0xF7A;
	s5 =	simm.s32 @!p2 $0x0  }
0x1d: {  	s5 =	simm.s32 @p1 $0x1;
	p0 =	seq.s32 s7, s2  }
0x1e: {  	s7 =	smul.u32 @!p0 $0xF7A, s2;
	p2 =	seq.s32 @!p0 s5, $0x0  }
0x1f: {  	s9 =	smul.u32 $0xF7A, s1;
	s8 =	simm.s32 @!p0 $0x1BF5;
	p2 =	por !p2, p0  }
0x20: {  	[sflag:s8] =	ssyncset.s32 @!p0 $0xFFFFF086;
	s6 =	sadd.s32 @!p0 s3, s7;
	s7 =	simm.s32 @!p0 $0x108  }
0x21: {  	s3 =	sadd.s32 s3, s9;
	s6 =	sadd.s32 @!p0 $0x88, s6;
	s7 =	simm.s32 @p2 $0x1082  }
0x22: {  	[simem:s7], [sflag:s8] =	dma.local @!p0 [hbm:s6], $0xF7A  }
0x23: {  	s9 =	sor.u32 $0xD0000000, s2;
	s6 =	simm.s32 $0x108;
	_ =	swait.ge @!p0 [sflag:s8], $0x0  }
0x24: {  	s3 =	sadd.s32 $0x88, s3;
	s6 =	simm.s32 @!p1 $0x1082;
	[sflag:s4] =	ssyncset.s32 $0xFFFFF086  }
0x25: {  	[simem:s6], [sflag:s4] =	dma.local [hbm:s3], $0xF7A  }
0x26: {  	[smem:$0x3F98] =	sst s1;
	(tag) =	ssettag s2;
	_ =	strace s9  }
0x27: {  	s1 =	sld [smem:$0x3FA8]  }
0x28: {  	s2 =	sld [smem:$0x3FA9]  }
0x29: {  	s4 =	sld [smem:$0x3FAB]  }
0x2a: {  	p0 =	seq.s32 s5, $0x0;
	s5 =	sld [smem:$0x3FAC]  }
0x2b: {  	s6 =	sld [smem:$0x3FAD]  }
0x2c: {  	s7 =	sld [smem:$0x3FAE]  }
0x2d: {  	s3 =	simm.s32 $0x108;
	s8 =	sld [smem:$0x3FAF]  }
0x2e: {  	s3 =	simm.s32 @!p0 $0x1082;
	s9 =	sld [smem:$0x3FB0]  }
0x2f: {  	lr =	sadd.s32 s0, s3;
	s0 =	sld [smem:$0x3FA7]  }
0x30: {  	s3 =	sld [smem:$0x3FAA]  }
0x31: {  	[smem:$0x3FB3] =	sst s10  }
0x32: {  	s10 =	sld [smem:$0x3FB1];
	_ =	sdelay $0x3  }
0x33: {  	p0 =	seq.s32 s10, $0x1;
	s10 =	sld [smem:$0x3FB3];
	_ =	sdelay $0x3  }
0x34: {  	[smem:$0x3FB3] =	sst s10  }
0x35: {  	s10 =	sld [smem:$0x3FB2];
	_ =	sdelay $0x3  }
0x36: {  	p1 =	seq.s32 s10, $0x1;
	s10 =	sld [smem:$0x3FB3];
	_ =	sdelay $0x3  }
0x37: {  	[smem:$0x3FB3] =	sst s10  }
0x38: {  	s10 =	sld [smem:$0x3FB4]  }
0x39: {  	_ = 	snop;
	(pc) =	sbr.ind lr, $3  }
0x3a: {  	_ = 	snop  }
0x3b: {  	_ = 	snop  }
0x3c: {  	p2 =	seq.s32 s10, $0x1;
	s10 =	sld [smem:$0x3FB3]  }
0x3d: {  	_ =	shalt  }
0x3e: {  	_ =	shalt  }
0x3f: {  	_ =	shalt  }
0x40: {  	_ =	shalt  }
0x41: {  	_ =	shalt  }
0x42: {  	_ =	shalt  }
0x43: {  	_ =	shalt  }
0x44: {  	_ =	shalt  }
0x45: {  	_ =	shalt  }
0x46: {  	_ =	shalt  }
0x47: {  	_ =	shalt  }
0x48: {  	_ =	shalt  }
0x49: {  	_ =	shalt  }
0x4a: {  	_ =	shalt  }
0x4b: {  	_ =	shalt  }
0x4c: {  	_ =	shalt  }
0x4d: {  	_ =	shalt  }
0x4e: {  	_ =	shalt  }
0x4f: {  	_ =	shalt  }
0x50: {  	_ =	shalt  }
0x51: {  	_ =	shalt  }
0x52: {  	_ =	shalt  }
0x53: {  	_ =	shalt  }
0x54: {  	_ =	shalt  }
0x55: {  	_ =	shalt  }
0x56: {  	_ =	shalt  }
0x57: {  	_ =	shalt  }
0x58: {  	_ =	shalt  }
0x59: {  	_ =	shalt  }
0x5a: {  	_ =	shalt  }
0x5b: {  	_ =	shalt  }
0x5c: {  	_ =	shalt  }
0x5d: {  	_ =	shalt  }
0x5e: {  	_ =	shalt  }
0x5f: {  	_ =	shalt  }
0x60: {  	_ =	shalt  }
0x61: {  	_ =	shalt  }
0x62: {  	_ =	shalt  }
0x63: {  	_ =	shalt  }
0x64: {  	_ =	shalt  }
0x65: {  	_ =	shalt  }
0x66: {  	_ =	shalt  }
0x67: {  	_ =	shalt  }
0x68: {  	_ =	shalt  }
0x69: {  	_ =	shalt  }
0x6a: {  	_ =	shalt  }
0x6b: {  	_ =	shalt  }
0x6c: {  	_ =	shalt  }
0x6d: {  	_ =	shalt  }
0x6e: {  	_ =	shalt  }
0x6f: {  	_ =	shalt  }
0x70: {  	_ =	shalt  }
0x71: {  	_ =	shalt  }
0x72: {  	_ =	shalt  }
0x73: {  	_ =	shalt  }
0x74: {  	_ =	shalt  }
0x75: {  	_ =	shalt  }
0x76: {  	_ =	shalt  }
0x77: {  	_ =	shalt  }
0x78: {  	_ =	shalt  }
0x79: {  	_ =	shalt  }
0x7a: {  	_ =	shalt  }
0x7b: {  	_ =	shalt  }
0x7c: {  	_ =	shalt  }
0x7d: {  	_ =	shalt  }
0x7e: {  	_ =	shalt  }
0x7f: {  	_ =	shalt  }
0x80: {  	_ =	shalt  }
0x81: {  	_ =	shalt  }
0x82: {  	_ =	shalt  }
0x83: {  	_ =	shalt  }
0x84: {  	_ =	shalt  }
0x85: {  	_ =	shalt  }
0x86: {  	_ =	shalt  }
0x87: {  	_ =	shalt  }
.Lfunc_end0:
.L_simem_size_0:
called_computation.1_lowered:
.L_overlay_start_0:
0x88: {  	s2 =	sld [smem:$0x3FD9]  }
0x89: {  	s3 =	sld [smem:$0x3FFE];
	_ =	sdelay $0x1  }
0x8a: {  	s1 =	srdreg.scid  }
0x8b: {  	s0 =	sand.u32 $0x1, s1  }
0x8c: {  	s16 =	sshll.u32 s0, $0xA;
	s2 =	sadd.s32 s3, s2  }
0x8d: {  	s2 =	sadd.s32 s2, s16  }
0x8e: {  	[smem:$0x3FBF] =	sst s2  }
0x8f: {  	_ = 	snop  }
0x90: {  	(tm) =	ssettm $0x1  }
0x91: {  	s17 =	sld [smem:$0x3FFB];
	_ =	sdelay $0x3  }
0x92: {  	_ =	strace s17  }
0x93: {  	s2 =	sld [smem:$0x3FFC];
	_ =	sdelay $0x3  }
0x94: {  	_ =	strace s2  }
0x95: {  	s2 =	sld [smem:$0x3FFD];
	_ =	sdelay $0x3  }
0x96: {  	_ =	strace s2  }
0x97: {  	_ =	strace $0x8FFFFFFF  }
0x98: {  	s18 =	sld [smem:$0x3FDB];
	_ =	sdelay $0x1  }
0x99: {  	s19 =	simm.s32 $_scs_section_size  }
0x9a: {  	s4 =	simm.s32 $_size__tile_overlayer_lowered;
	s5 =	simm.s32 $_tile_overlayer_lowered  }
0x9b: {  	s22 =	simm.s32 $0x1BFF;
	s21 =	sshll.u32 s5, $0x1;
	s2 =	sadd.s32 s19, s18  }
0x9c: {  	s6 =	simm.s32 $0x0;
	s20 =	sshll.u32 s4, $0x1;
	s4 =	sadd.s32 s21, s2  }
0x9d: {  	[timem:s6], [sflag:s22] =	dma.local [hbm:s4], s20  }
0x9e: {  	_ =	swait.ge [sflag:s22], s20  }
0x9f: {  	s3 =	ssub.s32 $0x0, s20;
	[sflag:s22] =	ssyncset.done $0x0  }
0xa0: {  	[sflag:s22] =	ssyncadd.s32 s3;
	_ =	sdelay $0x1  }
0xa1: {  	s23 =	simm.s32 $0x1B8B  }
0xa2: {  	_ =	swait.ge [sflag:s23], $0x1  }
0xa3: {  	[sflag:s23] =	ssyncset.done $0x0  }
0xa4: {  	s25 =	simm.s32 $0x1B8E;
	s24 =	sld [smem:$0x3FFE];
	[sflag:s23] =	ssyncadd.s32 $0xFFFFFFFF  }
0xa5: {  	s26 =	simm.s32 $execute0_lowered;
	[smem:$0x3FD2] =	sst s25  }
0xa6: {  	s4 =	sshll.u32 s26, $0x1;
	_ =	strace $0x80000049;
	[dreg:$0x1] =	wrdreg $0xFFFFFFFF  }
0xa7: {  	s28 =	simm.s32 $_size_execute0_lowered;
	s2 =	sadd.s32 s2, s4;
	[dreg:$0x0] =	wrdreg $0x0  }
0xa8: {  	s4 =	sshll.u32 s28, $0x1;
	[dreg:$0x2] =	wrdreg s2  }
0xa9: {  	[dreg:$0x3] =	wrdreg s4  }
0xaa: {  	[dreg:$0x4] =	wrdreg $0xC0  }
0xab: {  	_ =	task [dreg:s6], $0x5FFFF  }
0xac: {  	[dreg:$0x1] =	wrdreg $0xFFFFFFFF  }
0xad: {  	[dreg:$0x0] =	wrdreg $0x60  }
0xae: {  	[dreg:$0x2] =	wrdreg s24  }
0xaf: {  	[dreg:$0x3] =	wrdreg $0xB7800  }
0xb0: {  	[dreg:$0x4] =	wrdreg $0x9  }
0xb1: {  	_ =	task.clear_ibuf [dreg:s6], $0x5FFFF;
	_ =	strace $0x90000049  }
0xb2: {  	s29 =	simm.s32 $0x9;
	_ =	strace $0x8000004B  }
0xb3: {  	_ =	swait.ge [sflag:s29], $0x1  }
0xb4: {  	[sflag:s29] =	ssyncadd.s32 $0xFFFFFFFF  }
0xb5: {  	_ =	strace $0x9000004B  }
0xb6: {  	_ =	sfence  }
0xb7: {  	s30 =	sld [smem:$0x0];
	_ =	sdelay $0x2  }
0xb8: {  	s31 =	sshll.u32 s1, $0xD;
	s1 =	sshrl.u32 s1, $0x2  }
0xb9: {  	s3 =	sand.u32 $0x4000, s31;
	s1 =	sadd.s32 s1, s30  }
0xba: {  	s0 =	sor.u32 s3, s0;
	s1 =	sshll.u32 s1, $0x11  }
0xbb: {  	s0 =	sor.u32 s1, s0  }
0xbc: {  	s0 =	sadd.s32 $0x8F2B, s0  }
0xbd: {  	[sflag:s0] =	ssyncadd.remote.s32 $0x1  }
0xbe: {  	_ =	sfence.sel $0xFFFF  }
0xbf: {  	[dreg:$0x0] =	wrdreg $0xFFFFFFFF;
	(pc) =	sbr.abs _section_cstart, $3  }
0xc0: {  	[dreg:$0x1] =	wrdreg $0xFFFFFFFF  }
0xc1: {  	_ =	task.clear_ibuf [dreg:s6], $0x2FFFF;
	_ =	strace $0x9FFFFFFF  }
0xc2: {  	(tm) =	ssettm $0x7FFFFFFF  }
0xc3: {  	_ =	shalt  }
tec
execute0_lowered:
.L_overlay_start_1:
0x0: {  	(tag) =	ssettag $0x1  }
0x1: {  	s5 =	rddreg [dreg:$0x0];
	s1 =	srdreg.scid  }
0x2: {  	s0 =	stileid.u32;
	s2 =	rddreg [dreg:$0x1]  }
0x3: {  	s3 =	simm.s32 $0x0;
	s18 =	simm.s32 $0x50;
	s19 =	simm.s32 $0x6780  }
0x4: {  	s20 =	simm.s32 $0x8F80;
	s21 =	simm.s32 $0x1;
	s22 =	simm.s32 $0x2  }
0x5: {  	s23 =	simm.s32 $0x6580;
	s25 =	simm.s32 $0x0;
	s7 =	sand.u32 $0x1, s1  }
0x6: {  	s4 =	sshll.u32 s0, $0x1;
	s1 =	rddreg [dreg:$0x2];
	s8 =	smul.u32 $0x3E80, s0  }
0x7: {  	[smem:$0x7FF] =	sst s3;
	p1 =	slt.u32 s0, $0xA;
	s30 =	smul.u32 $0x7D000, s0  }
0x8: {  	s4 =	sor.u32 s7, s4;
	_ =	strace $0x8000004A;
	s9 =	smul.u32 $0x27100, s7  }
0x9: {  	s12 =	ssub.s32 $0x2, s7;
	p0 =	seq.s32 s7, $0x0;
	p2 =	seq.s32 s7, $0x1  }
0xa: {  	s6 =	smul.u32 $0x4E2, s4;
	s4 =	sshll.u32 s4, $0xB;
	s11 =	sadd.s32 s8, s5  }
0xb: {  	s13 =	sshrl.u32 s12, $0x1;
	p0 =	por !p1, !p0;
	s31 =	sshrl.u32 s30, $0x2  }
0xc: {  	p1 =	por !p1, !p2;
	p2 =	sgt.u32 s0, $0x9;
	s10 =	sadd.s32 s4, s5  }
0xd: {  	s4 =	sadd.s32 $0x1C200, s5;
	s9 =	sadd.s32 s8, s9;
	s12 =	ssub.s32 s12, s13  }
0xe: {  	p0 =	por !p0, !p0;
	s7 =	sadd.s32 s31, s2;
	p1 =	por !p1, !p1  }
0xf: {  	s13 =	simm.s32 $0x2780;
	s24 =	sshll.u32 @!p2 s0, $0x6;
	s6 =	sadd.s32 s6, s5  }
0x10: {  	s14 =	sadd.s32 s9, s5;
	s8 =	sadd.s32 s4, s8;
	s9 =	sadd.s32 $0x43400, s11  }
0x11: {  	s11 =	smax.u32 s12, $0x1;
	s12 =	simm.s32 $0x3;
	s15 =	sshrl.u32 @p0 s7, $0x3  }
0x12: {  	s16 =	sshll.u32 @p1 s0, $0x6;
	s17 =	sshrl.u32 @p1 s7, $0x3;
	s5 =	sadd.s32 $0x2400, s6  }
0x13: {  	s6 =	sadd.s32 $0xC200, s10;
	s10 =	sadd.s32 $0x6A600, s14;
	s14 =	sshll.u32 @p0 s0, $0x6  }
0x14: {  	s24 =	sor.u32 @!p2 $0x1C03, s24;
	s16 =	sor.u32 @p1 $0x1C03, s16;
	s14 =	sor.u32 @p0 $0x1C03, s14  }
.LBB2_1:
0x15: {  	[tilespmem:s3], [sflag:$0x3] =	stream.linear.gather [hbm4b:s5+s3], $0x2710, $0x38;
	[tilespmem:$0x1F000] =	vst v63  }
0x16: {  	_ =	swait.ge [sflag:s12], $0x2710  }
0x17: {  	[sflag:s12] =	ssyncset.done $0x0  }
0x18: {  	[sflag:s12] =	ssyncadd.s32 $0xFFFFD8F0  }
0x19: {  	[tilespmem:s13], [sflag:$0x3] =	stream.linear.gather [hbm4b:s6+s3], $0x3E80, $0x38;
	[tilespmem:$0x1F000] =	vst v63  }
0x1a: {  	_ =	swait.ge [sflag:s12], $0x3E80  }
0x1b: {  	[sflag:s12] =	ssyncset.done $0x0  }
0x1c: {  	s26 =	simm.s32 @p0 $0x3;
	[sflag:s12] =	ssyncadd.s32 $0xFFFFC180  }
0x1d: {  	[spmem:s15], [sflag:s14] =	dma.local @p0 [hbm:s8], $0x3E80  }
0x1e: {  	_ =	swait.ge @p0 [sflag:s26], $0x3E80  }
0x1f: {  	[sflag:s26] =	ssyncset.done @p0 $0x0  }
0x20: {  	[sflag:s26] =	ssyncadd.s32 @p0 $0xFFFFC180;
	s26 =	simm.s32 @p1 $0x3  }
0x21: {  	[spmem:s17], [sflag:s16] =	dma.local @p1 [hbm:s9], $0x3E80  }
0x22: {  	_ =	swait.ge @p1 [sflag:s26], $0x3E80  }
0x23: {  	[sflag:s26] =	ssyncset.done @p1 $0x0  }
0x24: {  	[sflag:s26] =	ssyncadd.s32 @p1 $0xFFFFC180  }
0x25: {  	[bflag:$0x0] =	sbarrier.arrive $0xFFFF  }
0x26: {  	[tilespmem:s19], [sflag:$0x1] =	stream.indirect.gather [hbm4b:s4+s18], $0x80, s3, s18, $0xb8;
	[tilespmem:$0x1F000] =	vst v63  }
0x27: {  	s30 =	simm.s32 $0x50  }
0x28: {  	[tilespmem:s20], [sflag:$0x2] =	stream.indirect.gather [hbm4b:s4+s18], $0x80, s30, s18, $0xb8;
	[tilespmem:$0x1F000] =	vst v63  }
0x29: {  	_ =	swait.ge [sflag:s21], $0x2800  }
0x2a: {  	[sflag:s21] =	ssyncset.done $0x0  }
0x2b: {  	s31 =	simm.s32 $0x2780;
	[sflag:s21] =	ssyncadd.s32 $0xFFFFD800  }
0x2c: {  	[spmem:s2] =	stream.indirect.scatter.add.f32 [tilespmem:s19], [sflag:$0x3], $0x80, s31, s18, $0xb8;
	[tilespmem:$0x1F000] =	vst v63  }
0x2d: {  	_ =	swait.ge [sflag:s12], $0x2800  }
0x2e: {  	[sflag:s12] =	ssyncset.done $0x0  }
0x2f: {  	s30 =	simm.s32 $0xA0;
	[sflag:s12] =	ssyncadd.s32 $0xFFFFD800  }
0x30: {  	[tilespmem:s19], [sflag:$0x1] =	stream.indirect.gather [hbm4b:s4+s18], $0x80, s30, s18, $0xb8;
	[tilespmem:$0x1F000] =	vst v63  }
0x31: {  	_ =	swait.ge [sflag:s22], $0x2800  }
0x32: {  	[sflag:s22] =	ssyncset.done $0x0  }
0x33: {  	s31 =	simm.s32 $0x2800;
	[sflag:s22] =	ssyncadd.s32 $0xFFFFD800  }
0x34: {  	[spmem:s2] =	stream.indirect.scatter.add.f32 [tilespmem:s20], [sflag:$0x3], $0x80, s31, s18, $0xb8;
	[tilespmem:$0x1F000] =	vst v63  }
0x35: {  	s28 =	simm.s32 $0x400;
	_ =	swait.ge [sflag:s12], $0x2800  }
0x36: {  	s29 =	simm.s32 $0x800;
	s26 =	simm.s32 $0x140;
	[sflag:s12] =	ssyncset.done $0x0  }
.LBB2_2:
0x37: {  	p3 =	sne.s32 s29, $0xF400;
	s30 =	sadd.s32 $0xFFFFFFB0, s26;
	[sflag:s12] =	ssyncadd.s32 $0xFFFFD800  }
0x38: {  	[tilespmem:s20], [sflag:$0x2] =	stream.indirect.gather [hbm4b:s4+s18], $0x80, s30, s18, $0xb8;
	[tilespmem:$0x1F000] =	vst v63  }
0x39: {  	s30 =	smov.u32 s29;
	s29 =	sadd.s32 $0x400, s29;
	_ =	swait.ge [sflag:s21], $0x2800  }
0x3a: {  	s31 =	sshra.s32 s28, $0x2;
	s28 =	smov.u32 s30;
	[sflag:s21] =	ssyncset.done $0x0  }
0x3b: {  	s30 =	sadd.s32 $0x2780, s31;
	[sflag:s21] =	ssyncadd.s32 $0xFFFFD800  }
0x3c: {  	[spmem:s2] =	stream.indirect.scatter.add.f32 [tilespmem:s19], [sflag:$0x3], $0x80, s30, s18, $0xb8;
	[tilespmem:$0x1F000] =	vst v63  }
0x3d: {  	_ =	swait.ge [sflag:s12], $0x2800  }
0x3e: {  	[sflag:s12] =	ssyncset.done $0x0  }
0x3f: {  	[sflag:s12] =	ssyncadd.s32 $0xFFFFD800  }
0x40: {  	[tilespmem:s19], [sflag:$0x1] =	stream.indirect.gather [hbm4b:s4+s18], $0x80, s26, s18, $0xb8;
	[tilespmem:$0x1F000] =	vst v63  }
0x41: {  	_ =	swait.ge [sflag:s22], $0x2800  }
.Ltmp0:
0x42: {  	[sflag:s22] =	ssyncset.done $0x0;
	(pc) =	sbr.rel @p3 .LBB2_2-.Ltmp0, $4  }
0x43: {  	s30 =	sadd.s32 $0x2800, s31;
	[sflag:s22] =	ssyncadd.s32 $0xFFFFD800  }
0x44: {  	[spmem:s2] =	stream.indirect.scatter.add.f32 [tilespmem:s20], [sflag:$0x3], $0x80, s30, s18, $0xb8;
	[tilespmem:$0x1F000] =	vst v63  }
0x45: {  	_ =	swait.ge [sflag:s12], $0x2800  }
0x46: {  	s26 =	sadd.s32 $0xA0, s26;
	[sflag:s12] =	ssyncset.done $0x0  }
0x47: {  	s29 =	sadd.s32 $0xFFFFFFB0, s26;
	[sflag:s12] =	ssyncadd.s32 $0xFFFFD800  }
0x48: {  	[tilespmem:s20], [sflag:$0x2] =	stream.indirect.gather [hbm4b:s4+s18], $0x80, s29, s18, $0xb8;
	[tilespmem:$0x1F000] =	vst v63  }
0x49: {  	_ =	swait.ge [sflag:s21], $0x2800  }
0x4a: {  	s28 =	sshra.s32 s28, $0x2;
	[sflag:s21] =	ssyncset.done $0x0  }
0x4b: {  	s30 =	sadd.s32 $0x2780, s28;
	[sflag:s21] =	ssyncadd.s32 $0xFFFFD800  }
0x4c: {  	[spmem:s2] =	stream.indirect.scatter.add.f32 [tilespmem:s19], [sflag:$0x3], $0x80, s30, s18, $0xb8;
	[tilespmem:$0x1F000] =	vst v63  }
0x4d: {  	_ =	swait.ge [sflag:s12], $0x2800  }
0x4e: {  	[sflag:s12] =	ssyncset.done $0x0  }
0x4f: {  	[sflag:s12] =	ssyncadd.s32 $0xFFFFD800  }
0x50: {  	[tilespmem:s19], [sflag:$0x1] =	stream.indirect.gather [hbm4b:s4+s18], $0x80, s26, s18, $0xb8;
	[tilespmem:$0x1F000] =	vst v63  }
0x51: {  	_ =	swait.ge [sflag:s22], $0x2800  }
0x52: {  	[sflag:s22] =	ssyncset.done $0x0  }
0x53: {  	s31 =	sadd.s32 $0x2800, s28;
	[sflag:s22] =	ssyncadd.s32 $0xFFFFD800  }
0x54: {  	[spmem:s2] =	stream.indirect.scatter.add.f32 [tilespmem:s20], [sflag:$0x3], $0x80, s31, s18, $0xb8;
	[tilespmem:$0x1F000] =	vst v63  }
0x55: {  	_ =	swait.ge [sflag:s12], $0x2800  }
0x56: {  	[sflag:s12] =	ssyncset.done $0x0  }
0x57: {  	[sflag:s12] =	ssyncadd.s32 $0xFFFFD800  }
0x58: {  	_ =	swait.ge [sflag:s21], $0x2800  }
0x59: {  	[sflag:s21] =	ssyncset.done $0x0  }
0x5a: {  	[sflag:s21] =	ssyncadd.s32 $0xFFFFD800  }
0x5b: {  	[spmem:s2] =	stream.indirect.scatter.add.f32 [tilespmem:s19], [sflag:$0x3], $0x80, s23, s18, $0xb8;
	[tilespmem:$0x1F000] =	vst v63  }
0x5c: {  	_ =	swait.ge [sflag:s12], $0x2800  }
0x5d: {  	[sflag:s12] =	ssyncset.done $0x0  }
0x5e: {  	s25 =	sadd.s32 $0x1, s25;
	[sflag:s12] =	ssyncadd.s32 $0xFFFFD800  }
0x5f: {  	p3 =	sne.s32 s25, s11;
	s26 =	sshrl.u32 @!p2 s7, $0x3;
	[bflag:$0x0] =	sbarrier.arrive $0xFFFF  }
0x60: {  	[hbm:s10], [sflag:s24] =	dma.local @!p2 [spmem:s26], $0x3E80  }
.Ltmp1:
0x61: {  	_ = 	snop;
	(pc) =	sbr.rel @p3 .LBB2_1-.Ltmp1, $4  }
0x62: {  	s26 =	simm.s32 @!p2 $0x3  }
0x63: {  	_ =	swait.ge @!p2 [sflag:s26], $0x3E80  }
0x64: {  	[sflag:s26] =	ssyncset.done @!p2 $0x0  }
0x65: {  	[sflag:s26] =	ssyncadd.s32 @!p2 $0xFFFFC180  }
0x66: {  	_ =	sfence.sel $0x180000  }
0x67: {  	[bflag:$0x0] =	sbarrier.arrive $0xFFFF  }
0x68: {  	p0 =	sne.s32 s0, $0x0;
	_ =	strace $0x9000004A  }
0x69: {  	s0 =	sadd.s32 @!p0 $0x100000, s1;
	[bflag:$0x2] =	sbarrier.arrive $0xFFFF  }
0x6a: {  	[sflag:s0] =	ssyncadd.tile.s32 @!p0 $0x1;
	_ =	shalt  }
.Lfunc_end2:
_tile_overlayer_lowered:
.L_overlay_start_2:
0x6b: {  	(tag) =	ssettag $0x2  }
0x6c: {  	s0 =	rddreg [dreg:$0x0];
	s2 =	stileid.u32  }
0x6d: {  	s1 =	rddreg [dreg:$0x1];
	p0 =	sne.s32 s2, $0x0  }
0x6e: {  	s3 =	rddreg [dreg:$0x2];
	[bflag:$0x3] =	sbarrier.arrive $0xFFFF;
	s2 =	simm.s32 @!p0 $0x1C03  }
0x6f: {  	[timem:s3], [sflag:s2] =	dma.local @!p0 [hbm:s0], s1  }
0x70: {  	s0 =	simm.s32 @!p0 $0x3  }
0x71: {  	_ =	swait.ge @!p0 [sflag:s0], s1  }
0x72: {  	s1 =	ssub.s32 @!p0 $0x0, s1;
	[sflag:s0] =	ssyncset.done @!p0 $0x0  }
0x73: {  	[sflag:s0] =	ssyncadd.s32 @!p0 s1  }
0x74: {  	[bflag:$0x3] =	sbarrier.arrive $0xFFFF  }
0x75: {  	_ =	shalt  }

// kernel: kernel.14.cloned.1.call-start
scs
__scs_entry_jumppad:
0x0: {  	(pc) =	sbr.rel $0x88, $3  }
0x1: {  	(tag) =	ssettag $0x0;
	lr =	simm.s32 $0x1  }
0x2: {  	[smem:$0x3F98] =	sst lr;
	_ =	strace $0xD0000000  }
0x3: {  	_ = 	snop  }
0x4: {  	_ = 	snop  }
0x5: {  	_ = 	snop  }
0x6: {  	_ = 	snop  }
0x7: {  	_ = 	snop  }
__scs_overlays_trampoline_lowered:
0x8: {  	[smem:$0x3FA7] =	sst s0  }
0x9: {  	[smem:$0x3FA8] =	sst s1  }
0xa: {  	[smem:$0x3FA9] =	sst s2  }
0xb: {  	[smem:$0x3FAA] =	sst s3  }
0xc: {  	[smem:$0x3FAB] =	sst s4  }
0xd: {  	[smem:$0x3FAC] =	sst s5  }
0xe: {  	[smem:$0x3FAD] =	sst s6  }
0xf: {  	[smem:$0x3FAE] =	sst s7  }
0x10: {  	[smem:$0x3FAF] =	sst s8  }
0x11: {  	[smem:$0x3FB0] =	sst s9;
	s0 =	simm.s32 @!p0 $0x0  }
0x12: {  	s1 =	sld [smem:$0x3F96];
	s0 =	simm.s32 @p0 $0x1  }
0x13: {  	[smem:$0x3FB1] =	sst s0;
	s0 =	simm.s32 @!p1 $0x0  }
0x14: {  	s2 =	sld [smem:$0x3F95];
	s0 =	simm.s32 @p1 $0x1  }
0x15: {  	[smem:$0x3FB2] =	sst s0;
	s0 =	simm.s32 @!p2 $0x0  }
0x16: {  	s3 =	sld [smem:$0x3FDB];
	s0 =	simm.s32 @p2 $0x1  }
0x17: {  	s4 =	simm.s32 $0x1BF5;
	[smem:$0x3FB4] =	sst s0  }
0x18: {  	s0 =	sld [smem:$0x3F97];
	_ =	swait.ge [sflag:s4], $0x0  }
0x19: {  	s7 =	sld [smem:$0x3F98]  }
0x1a: {  	s8 =	sadd.s32 $0xFFFFE003, lr  }
0x1b: {  	s9 =	sadd.s32 $0xFFFFFEF7, lr;
	s5 =	simm.s32 $0xFFFFFFFF;
	p2 =	slt.u32 s8, $0xFFFFF086  }
0x1c: {  	p1 =	slt.u32 s9, $0xF7A;
	s5 =	simm.s32 @!p2 $0x0  }
0x1d: {  	s5 =	simm.s32 @p1 $0x1;
	p0 =	seq.s32 s7, s2  }
0x1e: {  	s7 =	smul.u32 @!p0 $0xF7A, s2;
	p2 =	seq.s32 @!p0 s5, $0x0  }
0x1f: {  	s9 =	smul.u32 $0xF7A, s1;
	s8 =	simm.s32 @!p0 $0x1BF5;
	p2 =	por !p2, p0  }
0x20: {  	[sflag:s8] =	ssyncset.s32 @!p0 $0xFFFFF086;
	s6 =	sadd.s32 @!p0 s3, s7;
	s7 =	simm.s32 @!p0 $0x108  }
0x21: {  	s3 =	sadd.s32 s3, s9;
	s6 =	sadd.s32 @!p0 $0x88, s6;
	s7 =	simm.s32 @p2 $0x1082  }
0x22: {  	[simem:s7], [sflag:s8] =	dma.local @!p0 [hbm:s6], $0xF7A  }
0x23: {  	s9 =	sor.u32 $0xD0000000, s2;
	s6 =	simm.s32 $0x108;
	_ =	swait.ge @!p0 [sflag:s8], $0x0  }
0x24: {  	s3 =	sadd.s32 $0x88, s3;
	s6 =	simm.s32 @!p1 $0x1082;
	[sflag:s4] =	ssyncset.s32 $0xFFFFF086  }
0x25: {  	[simem:s6], [sflag:s4] =	dma.local [hbm:s3], $0xF7A  }
0x26: {  	[smem:$0x3F98] =	sst s1;
	(tag) =	ssettag s2;
	_ =	strace s9  }
0x27: {  	s1 =	sld [smem:$0x3FA8]  }
0x28: {  	s2 =	sld [smem:$0x3FA9]  }
0x29: {  	s4 =	sld [smem:$0x3FAB]  }
0x2a: {  	p0 =	seq.s32 s5, $0x0;
	s5 =	sld [smem:$0x3FAC]  }
0x2b: {  	s6 =	sld [smem:$0x3FAD]  }
0x2c: {  	s7 =	sld [smem:$0x3FAE]  }
0x2d: {  	s3 =	simm.s32 $0x108;
	s8 =	sld [smem:$0x3FAF]  }
0x2e: {  	s3 =	simm.s32 @!p0 $0x1082;
	s9 =	sld [smem:$0x3FB0]  }
0x2f: {  	lr =	sadd.s32 s0, s3;
	s0 =	sld [smem:$0x3FA7]  }
0x30: {  	s3 =	sld [smem:$0x3FAA]  }
0x31: {  	[smem:$0x3FB3] =	sst s10  }
0x32: {  	s10 =	sld [smem:$0x3FB1];
	_ =	sdelay $0x3  }
0x33: {  	p0 =	seq.s32 s10, $0x1;
	s10 =	sld [smem:$0x3FB3];
	_ =	sdelay $0x3  }
0x34: {  	[smem:$0x3FB3] =	sst s10  }
0x35: {  	s10 =	sld [smem:$0x3FB2];
	_ =	sdelay $0x3  }
0x36: {  	p1 =	seq.s32 s10, $0x1;
	s10 =	sld [smem:$0x3FB3];
	_ =	sdelay $0x3  }
0x37: {  	[smem:$0x3FB3] =	sst s10  }
0x38: {  	s10 =	sld [smem:$0x3FB4]  }
0x39: {  	_ = 	snop;
	(pc) =	sbr.ind lr, $3  }
0x3a: {  	_ = 	snop  }
0x3b: {  	_ = 	snop  }
0x3c: {  	p2 =	seq.s32 s10, $0x1;
	s10 =	sld [smem:$0x3FB3]  }
0x3d: {  	_ =	shalt  }
0x3e: {  	_ =	shalt  }
0x3f: {  	_ =	shalt  }
0x40: {  	_ =	shalt  }
0x41: {  	_ =	shalt  }
0x42: {  	_ =	shalt  }
0x43: {  	_ =	shalt  }
0x44: {  	_ =	shalt  }
0x45: {  	_ =	shalt  }
0x46: {  	_ =	shalt  }
0x47: {  	_ =	shalt  }
0x48: {  	_ =	shalt  }
0x49: {  	_ =	shalt  }
0x4a: {  	_ =	shalt  }
0x4b: {  	_ =	shalt  }
0x4c: {  	_ =	shalt  }
0x4d: {  	_ =	shalt  }
0x4e: {  	_ =	shalt  }
0x4f: {  	_ =	shalt  }
0x50: {  	_ =	shalt  }
0x51: {  	_ =	shalt  }
0x52: {  	_ =	shalt  }
0x53: {  	_ =	shalt  }
0x54: {  	_ =	shalt  }
0x55: {  	_ =	shalt  }
0x56: {  	_ =	shalt  }
0x57: {  	_ =	shalt  }
0x58: {  	_ =	shalt  }
0x59: {  	_ =	shalt  }
0x5a: {  	_ =	shalt  }
0x5b: {  	_ =	shalt  }
0x5c: {  	_ =	shalt  }
0x5d: {  	_ =	shalt  }
0x5e: {  	_ =	shalt  }
0x5f: {  	_ =	shalt  }
0x60: {  	_ =	shalt  }
0x61: {  	_ =	shalt  }
0x62: {  	_ =	shalt  }
0x63: {  	_ =	shalt  }
0x64: {  	_ =	shalt  }
0x65: {  	_ =	shalt  }
0x66: {  	_ =	shalt  }
0x67: {  	_ =	shalt  }
0x68: {  	_ =	shalt  }
0x69: {  	_ =	shalt  }
0x6a: {  	_ =	shalt  }
0x6b: {  	_ =	shalt  }
0x6c: {  	_ =	shalt  }
0x6d: {  	_ =	shalt  }
0x6e: {  	_ =	shalt  }
0x6f: {  	_ =	shalt  }
0x70: {  	_ =	shalt  }
0x71: {  	_ =	shalt  }
0x72: {  	_ =	shalt  }
0x73: {  	_ =	shalt  }
0x74: {  	_ =	shalt  }
0x75: {  	_ =	shalt  }
0x76: {  	_ =	shalt  }
0x77: {  	_ =	shalt  }
0x78: {  	_ =	shalt  }
0x79: {  	_ =	shalt  }
0x7a: {  	_ =	shalt  }
0x7b: {  	_ =	shalt  }
0x7c: {  	_ =	shalt  }
0x7d: {  	_ =	shalt  }
0x7e: {  	_ =	shalt  }
0x7f: {  	_ =	shalt  }
0x80: {  	_ =	shalt  }
0x81: {  	_ =	shalt  }
0x82: {  	_ =	shalt  }
0x83: {  	_ =	shalt  }
0x84: {  	_ =	shalt  }
0x85: {  	_ =	shalt  }
0x86: {  	_ =	shalt  }
0x87: {  	_ =	shalt  }
.Lfunc_end0:
.L_simem_size_0:
called_computation.2_lowered:
.L_overlay_start_0:
0x88: {  	s2 =	sld [smem:$0x3FD9]  }
0x89: {  	s3 =	sld [smem:$0x3FFE];
	_ =	sdelay $0x1  }
0x8a: {  	s1 =	srdreg.scid  }
0x8b: {  	s0 =	sand.u32 $0x1, s1  }
0x8c: {  	s16 =	sshll.u32 s0, $0xA;
	s2 =	sadd.s32 s3, s2  }
0x8d: {  	s2 =	sadd.s32 s2, s16  }
0x8e: {  	[smem:$0x3FBF] =	sst s2  }
0x8f: {  	_ = 	snop  }
0x90: {  	(tm) =	ssettm $0x1  }
0x91: {  	s17 =	sld [smem:$0x3FFB];
	_ =	sdelay $0x3  }
0x92: {  	_ =	strace s17  }
0x93: {  	s2 =	sld [smem:$0x3FFC];
	_ =	sdelay $0x3  }
0x94: {  	_ =	strace s2  }
0x95: {  	s2 =	sld [smem:$0x3FFD];
	_ =	sdelay $0x3  }
0x96: {  	_ =	strace s2  }
0x97: {  	_ =	strace $0x8FFFFFFF  }
0x98: {  	s18 =	sld [smem:$0x3FDB];
	_ =	sdelay $0x1  }
0x99: {  	s19 =	simm.s32 $_scs_section_size  }
0x9a: {  	s4 =	simm.s32 $_size__tile_overlayer_lowered;
	s5 =	simm.s32 $_tile_overlayer_lowered  }
0x9b: {  	s22 =	simm.s32 $0x1BFF;
	s21 =	sshll.u32 s5, $0x1;
	s2 =	sadd.s32 s19, s18  }
0x9c: {  	s6 =	simm.s32 $0x0;
	s20 =	sshll.u32 s4, $0x1;
	s4 =	sadd.s32 s21, s2  }
0x9d: {  	[timem:s6], [sflag:s22] =	dma.local [hbm:s4], s20  }
0x9e: {  	_ =	swait.ge [sflag:s22], s20  }
0x9f: {  	s3 =	ssub.s32 $0x0, s20;
	[sflag:s22] =	ssyncset.done $0x0  }
0xa0: {  	[sflag:s22] =	ssyncadd.s32 s3;
	_ =	sdelay $0x1  }
0xa1: {  	s23 =	simm.s32 $0x1B8B  }
0xa2: {  	_ =	swait.ge [sflag:s23], $0x1  }
0xa3: {  	[sflag:s23] =	ssyncset.done $0x0  }
0xa4: {  	s25 =	simm.s32 $0x1B8E;
	s24 =	sld [smem:$0x3FFE];
	[sflag:s23] =	ssyncadd.s32 $0xFFFFFFFF  }
0xa5: {  	s26 =	simm.s32 $execute0_lowered;
	[smem:$0x3FD2] =	sst s25  }
0xa6: {  	s4 =	sshll.u32 s26, $0x1;
	_ =	strace $0x8000004C;
	[dreg:$0x1] =	wrdreg $0xFFFFFFFF  }
0xa7: {  	s28 =	simm.s32 $_size_execute0_lowered;
	s2 =	sadd.s32 s2, s4;
	[dreg:$0x0] =	wrdreg $0x0  }
0xa8: {  	s4 =	sshll.u32 s28, $0x1;
	[dreg:$0x2] =	wrdreg s2  }
0xa9: {  	[dreg:$0x3] =	wrdreg s4  }
0xaa: {  	[dreg:$0x4] =	wrdreg $0xC0  }
0xab: {  	_ =	task [dreg:s6], $0x5FFFF  }
0xac: {  	[dreg:$0x1] =	wrdreg $0xFFFFFFFF  }
0xad: {  	[dreg:$0x0] =	wrdreg $0x60  }
0xae: {  	[dreg:$0x2] =	wrdreg s24  }
0xaf: {  	[dreg:$0x3] =	wrdreg $0xB7800  }
0xb0: {  	[dreg:$0x4] =	wrdreg $0x9  }
0xb1: {  	_ =	task.clear_ibuf [dreg:s6], $0x5FFFF;
	_ =	strace $0x9000004C  }
0xb2: {  	s29 =	simm.s32 $0x9;
	_ =	strace $0x8000004E  }
0xb3: {  	_ =	swait.ge [sflag:s29], $0x1  }
0xb4: {  	[sflag:s29] =	ssyncadd.s32 $0xFFFFFFFF  }
0xb5: {  	_ =	strace $0x9000004E  }
0xb6: {  	_ =	sfence  }
0xb7: {  	s30 =	sld [smem:$0x0];
	_ =	sdelay $0x2  }
0xb8: {  	s31 =	sshll.u32 s1, $0xD;
	s1 =	sshrl.u32 s1, $0x2  }
0xb9: {  	s3 =	sand.u32 $0x4000, s31;
	s1 =	sadd.s32 s1, s30  }
0xba: {  	s0 =	sor.u32 s3, s0;
	s1 =	sshll.u32 s1, $0x11  }
0xbb: {  	s0 =	sor.u32 s1, s0  }
0xbc: {  	s0 =	sadd.s32 $0x8F2B, s0  }
0xbd: {  	[sflag:s0] =	ssyncadd.remote.s32 $0x1  }
0xbe: {  	_ =	sfence.sel $0xFFFF  }
0xbf: {  	[dreg:$0x0] =	wrdreg $0xFFFFFFFF;
	(pc) =	sbr.abs _section_cstart, $3  }
0xc0: {  	[dreg:$0x1] =	wrdreg $0xFFFFFFFF  }
0xc1: {  	_ =	task.clear_ibuf [dreg:s6], $0x2FFFF;
	_ =	strace $0x9FFFFFFF  }
0xc2: {  	(tm) =	ssettm $0x7FFFFFFF  }
0xc3: {  	_ =	shalt  }
tec
execute0_lowered:
.L_overlay_start_1:
0x0: {  	(tag) =	ssettag $0x1  }
0x1: {  	s5 =	rddreg [dreg:$0x0];
	s1 =	srdreg.scid  }
0x2: {  	s0 =	stileid.u32;
	s2 =	rddreg [dreg:$0x1]  }
0x3: {  	s3 =	simm.s32 $0x0;
	s18 =	simm.s32 $0x50;
	s19 =	simm.s32 $0x6780  }
0x4: {  	s20 =	simm.s32 $0x8F80;
	s21 =	simm.s32 $0x1;
	s22 =	simm.s32 $0x2  }
0x5: {  	s23 =	simm.s32 $0x6580;
	s25 =	simm.s32 $0x0;
	s7 =	sand.u32 $0x1, s1  }
0x6: {  	s4 =	sshll.u32 s0, $0x1;
	s1 =	rddreg [dreg:$0x2];
	s8 =	smul.u32 $0x3E80, s0  }
0x7: {  	[smem:$0x7FF] =	sst s3;
	p1 =	slt.u32 s0, $0xA;
	s30 =	smul.u32 $0x7D000, s0  }
0x8: {  	s4 =	sor.u32 s7, s4;
	_ =	strace $0x8000004D;
	s9 =	smul.u32 $0x27100, s7  }
0x9: {  	s12 =	ssub.s32 $0x2, s7;
	p0 =	seq.s32 s7, $0x0;
	p2 =	seq.s32 s7, $0x1  }
0xa: {  	s6 =	smul.u32 $0x4E2, s4;
	s4 =	sshll.u32 s4, $0xB;
	s11 =	sadd.s32 s8, s5  }
0xb: {  	s13 =	sshrl.u32 s12, $0x1;
	p0 =	por !p1, !p0;
	s31 =	sshrl.u32 s30, $0x2  }
0xc: {  	p1 =	por !p1, !p2;
	p2 =	sgt.u32 s0, $0x9;
	s10 =	sadd.s32 s4, s5  }
0xd: {  	s4 =	sadd.s32 $0x1C200, s5;
	s9 =	sadd.s32 s8, s9;
	s12 =	ssub.s32 s12, s13  }
0xe: {  	p0 =	por !p0, !p0;
	s7 =	sadd.s32 s31, s2;
	p1 =	por !p1, !p1  }
0xf: {  	s13 =	simm.s32 $0x2780;
	s24 =	sshll.u32 @!p2 s0, $0x6;
	s6 =	sadd.s32 s6, s5  }
0x10: {  	s14 =	sadd.s32 s9, s5;
	s8 =	sadd.s32 s4, s8;
	s9 =	sadd.s32 $0x43400, s11  }
0x11: {  	s11 =	smax.u32 s12, $0x1;
	s12 =	simm.s32 $0x3;
	s15 =	sshrl.u32 @p0 s7, $0x3  }
0x12: {  	s16 =	sshll.u32 @p1 s0, $0x6;
	s17 =	sshrl.u32 @p1 s7, $0x3;
	s5 =	sadd.s32 $0x2400, s6  }
0x13: {  	s6 =	sadd.s32 $0xC200, s10;
	s10 =	sadd.s32 $0x6A600, s14;
	s14 =	sshll.u32 @p0 s0, $0x6  }
0x14: {  	s24 =	sor.u32 @!p2 $0x1C03, s24;
	s16 =	sor.u32 @p1 $0x1C03, s16;
	s14 =	sor.u32 @p0 $0x1C03, s14  }
.LBB2_1:
0x15: {  	[tilespmem:s3], [sflag:$0x3] =	stream.linear.gather [hbm4b:s5+s3], $0x2710, $0x38;
	[tilespmem:$0x1F000] =	vst v63  }
0x16: {  	_ =	swait.ge [sflag:s12], $0x2710  }
0x17: {  	[sflag:s12] =	ssyncset.done $0x0  }
0x18: {  	[sflag:s12] =	ssyncadd.s32 $0xFFFFD8F0  }
0x19: {  	[tilespmem:s13], [sflag:$0x3] =	stream.linear.gather [hbm4b:s6+s3], $0x3E80, $0x38;
	[tilespmem:$0x1F000] =	vst v63  }
0x1a: {  	_ =	swait.ge [sflag:s12], $0x3E80  }
0x1b: {  	[sflag:s12] =	ssyncset.done $0x0  }
0x1c: {  	s26 =	simm.s32 @p0 $0x3;
	[sflag:s12] =	ssyncadd.s32 $0xFFFFC180  }
0x1d: {  	[spmem:s15], [sflag:s14] =	dma.local @p0 [hbm:s8], $0x3E80  }
0x1e: {  	_ =	swait.ge @p0 [sflag:s26], $0x3E80  }
0x1f: {  	[sflag:s26] =	ssyncset.done @p0 $0x0  }
0x20: {  	[sflag:s26] =	ssyncadd.s32 @p0 $0xFFFFC180;
	s26 =	simm.s32 @p1 $0x3  }
0x21: {  	[spmem:s17], [sflag:s16] =	dma.local @p1 [hbm:s9], $0x3E80  }
0x22: {  	_ =	swait.ge @p1 [sflag:s26], $0x3E80  }
0x23: {  	[sflag:s26] =	ssyncset.done @p1 $0x0  }
0x24: {  	[sflag:s26] =	ssyncadd.s32 @p1 $0xFFFFC180  }
0x25: {  	[bflag:$0x0] =	sbarrier.arrive $0xFFFF  }
0x26: {  	[tilespmem:s19], [sflag:$0x1] =	stream.indirect.gather [hbm4b:s4+s18], $0x80, s3, s18, $0xb8;
	[tilespmem:$0x1F000] =	vst v63  }
0x27: {  	s30 =	simm.s32 $0x50  }
0x28: {  	[tilespmem:s20], [sflag:$0x2] =	stream.indirect.gather [hbm4b:s4+s18], $0x80, s30, s18, $0xb8;
	[tilespmem:$0x1F000] =	vst v63  }
0x29: {  	_ =	swait.ge [sflag:s21], $0x2800  }
0x2a: {  	[sflag:s21] =	ssyncset.done $0x0  }
0x2b: {  	s31 =	simm.s32 $0x2780;
	[sflag:s21] =	ssyncadd.s32 $0xFFFFD800  }
0x2c: {  	[spmem:s2] =	stream.indirect.scatter.add.f32 [tilespmem:s19], [sflag:$0x3], $0x80, s31, s18, $0xb8;
	[tilespmem:$0x1F000] =	vst v63  }
0x2d: {  	_ =	swait.ge [sflag:s12], $0x2800  }
0x2e: {  	[sflag:s12] =	ssyncset.done $0x0  }
0x2f: {  	s30 =	simm.s32 $0xA0;
	[sflag:s12] =	ssyncadd.s32 $0xFFFFD800  }
0x30: {  	[tilespmem:s19], [sflag:$0x1] =	stream.indirect.gather [hbm4b:s4+s18], $0x80, s30, s18, $0xb8;
	[tilespmem:$0x1F000] =	vst v63  }
0x31: {  	_ =	swait.ge [sflag:s22], $0x2800  }
0x32: {  	[sflag:s22] =	ssyncset.done $0x0  }
0x33: {  	s31 =	simm.s32 $0x2800;
	[sflag:s22] =	ssyncadd.s32 $0xFFFFD800  }
0x34: {  	[spmem:s2] =	stream.indirect.scatter.add.f32 [tilespmem:s20], [sflag:$0x3], $0x80, s31, s18, $0xb8;
	[tilespmem:$0x1F000] =	vst v63  }
0x35: {  	s28 =	simm.s32 $0x400;
	_ =	swait.ge [sflag:s12], $0x2800  }
0x36: {  	s29 =	simm.s32 $0x800;
	s26 =	simm.s32 $0x140;
	[sflag:s12] =	ssyncset.done $0x0  }
.LBB2_2:
0x37: {  	p3 =	sne.s32 s29, $0xF400;
	s30 =	sadd.s32 $0xFFFFFFB0, s26;
	[sflag:s12] =	ssyncadd.s32 $0xFFFFD800  }
0x38: {  	[tilespmem:s20], [sflag:$0x2] =	stream.indirect.gather [hbm4b:s4+s18], $0x80, s30, s18, $0xb8;
	[tilespmem:$0x1F000] =	vst v63  }
0x39: {  	s30 =	smov.u32 s29;
	s29 =	sadd.s32 $0x400, s29;
	_ =	swait.ge [sflag:s21], $0x2800  }
0x3a: {  	s31 =	sshra.s32 s28, $0x2;
	s28 =	smov.u32 s30;
	[sflag:s21] =	ssyncset.done $0x0  }
0x3b: {  	s30 =	sadd.s32 $0x2780, s31;
	[sflag:s21] =	ssyncadd.s32 $0xFFFFD800  }
0x3c: {  	[spmem:s2] =	stream.indirect.scatter.add.f32 [tilespmem:s19], [sflag:$0x3], $0x80, s30, s18, $0xb8;
	[tilespmem:$0x1F000] =	vst v63  }
0x3d: {  	_ =	swait.ge [sflag:s12], $0x2800  }
0x3e: {  	[sflag:s12] =	ssyncset.done $0x0  }
0x3f: {  	[sflag:s12] =	ssyncadd.s32 $0xFFFFD800  }
0x40: {  	[tilespmem:s19], [sflag:$0x1] =	stream.indirect.gather [hbm4b:s4+s18], $0x80, s26, s18, $0xb8;
	[tilespmem:$0x1F000] =	vst v63  }
0x41: {  	_ =	swait.ge [sflag:s22], $0x2800  }
.Ltmp0:
0x42: {  	[sflag:s22] =	ssyncset.done $0x0;
	(pc) =	sbr.rel @p3 .LBB2_2-.Ltmp0, $4  }
0x43: {  	s30 =	sadd.s32 $0x2800, s31;
	[sflag:s22] =	ssyncadd.s32 $0xFFFFD800  }
0x44: {  	[spmem:s2] =	stream.indirect.scatter.add.f32 [tilespmem:s20], [sflag:$0x3], $0x80, s30, s18, $0xb8;
	[tilespmem:$0x1F000] =	vst v63  }
0x45: {  	_ =	swait.ge [sflag:s12], $0x2800  }
0x46: {  	s26 =	sadd.s32 $0xA0, s26;
	[sflag:s12] =	ssyncset.done $0x0  }
0x47: {  	s29 =	sadd.s32 $0xFFFFFFB0, s26;
	[sflag:s12] =	ssyncadd.s32 $0xFFFFD800  }
0x48: {  	[tilespmem:s20], [sflag:$0x2] =	stream.indirect.gather [hbm4b:s4+s18], $0x80, s29, s18, $0xb8;
	[tilespmem:$0x1F000] =	vst v63  }
0x49: {  	_ =	swait.ge [sflag:s21], $0x2800  }
0x4a: {  	s28 =	sshra.s32 s28, $0x2;
	[sflag:s21] =	ssyncset.done $0x0  }
0x4b: {  	s30 =	sadd.s32 $0x2780, s28;
	[sflag:s21] =	ssyncadd.s32 $0xFFFFD800  }
0x4c: {  	[spmem:s2] =	stream.indirect.scatter.add.f32 [tilespmem:s19], [sflag:$0x3], $0x80, s30, s18, $0xb8;
	[tilespmem:$0x1F000] =	vst v63  }
0x4d: {  	_ =	swait.ge [sflag:s12], $0x2800  }
0x4e: {  	[sflag:s12] =	ssyncset.done $0x0  }
0x4f: {  	[sflag:s12] =	ssyncadd.s32 $0xFFFFD800  }
0x50: {  	[tilespmem:s19], [sflag:$0x1] =	stream.indirect.gather [hbm4b:s4+s18], $0x80, s26, s18, $0xb8;
	[tilespmem:$0x1F000] =	vst v63  }
0x51: {  	_ =	swait.ge [sflag:s22], $0x2800  }
0x52: {  	[sflag:s22] =	ssyncset.done $0x0  }
0x53: {  	s31 =	sadd.s32 $0x2800, s28;
	[sflag:s22] =	ssyncadd.s32 $0xFFFFD800  }
0x54: {  	[spmem:s2] =	stream.indirect.scatter.add.f32 [tilespmem:s20], [sflag:$0x3], $0x80, s31, s18, $0xb8;
	[tilespmem:$0x1F000] =	vst v63  }
0x55: {  	_ =	swait.ge [sflag:s12], $0x2800  }
0x56: {  	[sflag:s12] =	ssyncset.done $0x0  }
0x57: {  	[sflag:s12] =	ssyncadd.s32 $0xFFFFD800  }
0x58: {  	_ =	swait.ge [sflag:s21], $0x2800  }
0x59: {  	[sflag:s21] =	ssyncset.done $0x0  }
0x5a: {  	[sflag:s21] =	ssyncadd.s32 $0xFFFFD800  }
0x5b: {  	[spmem:s2] =	stream.indirect.scatter.add.f32 [tilespmem:s19], [sflag:$0x3], $0x80, s23, s18, $0xb8;
	[tilespmem:$0x1F000] =	vst v63  }
0x5c: {  	_ =	swait.ge [sflag:s12], $0x2800  }
0x5d: {  	[sflag:s12] =	ssyncset.done $0x0  }
0x5e: {  	s25 =	sadd.s32 $0x1, s25;
	[sflag:s12] =	ssyncadd.s32 $0xFFFFD800  }
0x5f: {  	p3 =	sne.s32 s25, s11;
	s26 =	sshrl.u32 @!p2 s7, $0x3;
	[bflag:$0x0] =	sbarrier.arrive $0xFFFF  }
0x60: {  	[hbm:s10], [sflag:s24] =	dma.local @!p2 [spmem:s26], $0x3E80  }
.Ltmp1:
0x61: {  	_ = 	snop;
	(pc) =	sbr.rel @p3 .LBB2_1-.Ltmp1, $4  }
0x62: {  	s26 =	simm.s32 @!p2 $0x3  }
0x63: {  	_ =	swait.ge @!p2 [sflag:s26], $0x3E80  }
0x64: {  	[sflag:s26] =	ssyncset.done @!p2 $0x0  }
0x65: {  	[sflag:s26] =	ssyncadd.s32 @!p2 $0xFFFFC180  }
0x66: {  	_ =	sfence.sel $0x180000  }
0x67: {  	[bflag:$0x0] =	sbarrier.arrive $0xFFFF  }
0x68: {  	p0 =	sne.s32 s0, $0x0;
	_ =	strace $0x9000004D  }
0x69: {  	s0 =	sadd.s32 @!p0 $0x100000, s1;
	[bflag:$0x2] =	sbarrier.arrive $0xFFFF  }
0x6a: {  	[sflag:s0] =	ssyncadd.tile.s32 @!p0 $0x1;
	_ =	shalt  }
.Lfunc_end2:
_tile_overlayer_lowered:
.L_overlay_start_2:
0x6b: {  	(tag) =	ssettag $0x2  }
0x6c: {  	s0 =	rddreg [dreg:$0x0];
	s2 =	stileid.u32  }
0x6d: {  	s1 =	rddreg [dreg:$0x1];
	p0 =	sne.s32 s2, $0x0  }
0x6e: {  	s3 =	rddreg [dreg:$0x2];
	[bflag:$0x3] =	sbarrier.arrive $0xFFFF;
	s2 =	simm.s32 @!p0 $0x1C03  }
0x6f: {  	[timem:s3], [sflag:s2] =	dma.local @!p0 [hbm:s0], s1  }
0x70: {  	s0 =	simm.s32 @!p0 $0x3  }
0x71: {  	_ =	swait.ge @!p0 [sflag:s0], s1  }
0x72: {  	s1 =	ssub.s32 @!p0 $0x0, s1;
	[sflag:s0] =	ssyncset.done @!p0 $0x0  }
0x73: {  	[sflag:s0] =	ssyncadd.s32 @!p0 s1  }
0x74: {  	[bflag:$0x3] =	sbarrier.arrive $0xFFFF  }
0x75: {  	_ =	shalt  }

// kernel: kernel.8.cloned.1.call-start
scs
__scs_entry_jumppad:
0x0: {  	(pc) =	sbr.rel $0x88, $3  }
0x1: {  	(tag) =	ssettag $0x0;
	lr =	simm.s32 $0x1  }
0x2: {  	[smem:$0x3F98] =	sst lr;
	_ =	strace $0xD0000000  }
0x3: {  	_ = 	snop  }
0x4: {  	_ = 	snop  }
0x5: {  	_ = 	snop  }
0x6: {  	_ = 	snop  }
0x7: {  	_ = 	snop  }
__scs_overlays_trampoline_lowered:
0x8: {  	[smem:$0x3FA7] =	sst s0  }
0x9: {  	[smem:$0x3FA8] =	sst s1  }
0xa: {  	[smem:$0x3FA9] =	sst s2  }
0xb: {  	[smem:$0x3FAA] =	sst s3  }
0xc: {  	[smem:$0x3FAB] =	sst s4  }
0xd: {  	[smem:$0x3FAC] =	sst s5  }
0xe: {  	[smem:$0x3FAD] =	sst s6  }
0xf: {  	[smem:$0x3FAE] =	sst s7  }
0x10: {  	[smem:$0x3FAF] =	sst s8  }
0x11: {  	[smem:$0x3FB0] =	sst s9;
	s0 =	simm.s32 @!p0 $0x0  }
0x12: {  	s1 =	sld [smem:$0x3F96];
	s0 =	simm.s32 @p0 $0x1  }
0x13: {  	[smem:$0x3FB1] =	sst s0;
	s0 =	simm.s32 @!p1 $0x0  }
0x14: {  	s2 =	sld [smem:$0x3F95];
	s0 =	simm.s32 @p1 $0x1  }
0x15: {  	[smem:$0x3FB2] =	sst s0;
	s0 =	simm.s32 @!p2 $0x0  }
0x16: {  	s3 =	sld [smem:$0x3FDB];
	s0 =	simm.s32 @p2 $0x1  }
0x17: {  	s4 =	simm.s32 $0x1BF5;
	[smem:$0x3FB4] =	sst s0  }
0x18: {  	s0 =	sld [smem:$0x3F97];
	_ =	swait.ge [sflag:s4], $0x0  }
0x19: {  	s7 =	sld [smem:$0x3F98]  }
0x1a: {  	s8 =	sadd.s32 $0xFFFFE003, lr  }
0x1b: {  	s9 =	sadd.s32 $0xFFFFFEF7, lr;
	s5 =	simm.s32 $0xFFFFFFFF;
	p2 =	slt.u32 s8, $0xFFFFF086  }
0x1c: {  	p1 =	slt.u32 s9, $0xF7A;
	s5 =	simm.s32 @!p2 $0x0  }
0x1d: {  	s5 =	simm.s32 @p1 $0x1;
	p0 =	seq.s32 s7, s2  }
0x1e: {  	s7 =	smul.u32 @!p0 $0xF7A, s2;
	p2 =	seq.s32 @!p0 s5, $0x0  }
0x1f: {  	s9 =	smul.u32 $0xF7A, s1;
	s8 =	simm.s32 @!p0 $0x1BF5;
	p2 =	por !p2, p0  }
0x20: {  	[sflag:s8] =	ssyncset.s32 @!p0 $0xFFFFF086;
	s6 =	sadd.s32 @!p0 s3, s7;
	s7 =	simm.s32 @!p0 $0x108  }
0x21: {  	s3 =	sadd.s32 s3, s9;
	s6 =	sadd.s32 @!p0 $0x88, s6;
	s7 =	simm.s32 @p2 $0x1082  }
0x22: {  	[simem:s7], [sflag:s8] =	dma.local @!p0 [hbm:s6], $0xF7A  }
0x23: {  	s9 =	sor.u32 $0xD0000000, s2;
	s6 =	simm.s32 $0x108;
	_ =	swait.ge @!p0 [sflag:s8], $0x0  }
0x24: {  	s3 =	sadd.s32 $0x88, s3;
	s6 =	simm.s32 @!p1 $0x1082;
	[sflag:s4] =	ssyncset.s32 $0xFFFFF086  }
0x25: {  	[simem:s6], [sflag:s4] =	dma.local [hbm:s3], $0xF7A  }
0x26: {  	[smem:$0x3F98] =	sst s1;
	(tag) =	ssettag s2;
	_ =	strace s9  }
0x27: {  	s1 =	sld [smem:$0x3FA8]  }
0x28: {  	s2 =	sld [smem:$0x3FA9]  }
0x29: {  	s4 =	sld [smem:$0x3FAB]  }
0x2a: {  	p0 =	seq.s32 s5, $0x0;
	s5 =	sld [smem:$0x3FAC]  }
0x2b: {  	s6 =	sld [smem:$0x3FAD]  }
0x2c: {  	s7 =	sld [smem:$0x3FAE]  }
0x2d: {  	s3 =	simm.s32 $0x108;
	s8 =	sld [smem:$0x3FAF]  }
0x2e: {  	s3 =	simm.s32 @!p0 $0x1082;
	s9 =	sld [smem:$0x3FB0]  }
0x2f: {  	lr =	sadd.s32 s0, s3;
	s0 =	sld [smem:$0x3FA7]  }
0x30: {  	s3 =	sld [smem:$0x3FAA]  }
0x31: {  	[smem:$0x3FB3] =	sst s10  }
0x32: {  	s10 =	sld [smem:$0x3FB1];
	_ =	sdelay $0x3  }
0x33: {  	p0 =	seq.s32 s10, $0x1;
	s10 =	sld [smem:$0x3FB3];
	_ =	sdelay $0x3  }
0x34: {  	[smem:$0x3FB3] =	sst s10  }
0x35: {  	s10 =	sld [smem:$0x3FB2];
	_ =	sdelay $0x3  }
0x36: {  	p1 =	seq.s32 s10, $0x1;
	s10 =	sld [smem:$0x3FB3];
	_ =	sdelay $0x3  }
0x37: {  	[smem:$0x3FB3] =	sst s10  }
0x38: {  	s10 =	sld [smem:$0x3FB4]  }
0x39: {  	_ = 	snop;
	(pc) =	sbr.ind lr, $3  }
0x3a: {  	_ = 	snop  }
0x3b: {  	_ = 	snop  }
0x3c: {  	p2 =	seq.s32 s10, $0x1;
	s10 =	sld [smem:$0x3FB3]  }
0x3d: {  	_ =	shalt  }
0x3e: {  	_ =	shalt  }
0x3f: {  	_ =	shalt  }
0x40: {  	_ =	shalt  }
0x41: {  	_ =	shalt  }
0x42: {  	_ =	shalt  }
0x43: {  	_ =	shalt  }
0x44: {  	_ =	shalt  }
0x45: {  	_ =	shalt  }
0x46: {  	_ =	shalt  }
0x47: {  	_ =	shalt  }
0x48: {  	_ =	shalt  }
0x49: {  	_ =	shalt  }
0x4a: {  	_ =	shalt  }
0x4b: {  	_ =	shalt  }
0x4c: {  	_ =	shalt  }
0x4d: {  	_ =	shalt  }
0x4e: {  	_ =	shalt  }
0x4f: {  	_ =	shalt  }
0x50: {  	_ =	shalt  }
0x51: {  	_ =	shalt  }
0x52: {  	_ =	shalt  }
0x53: {  	_ =	shalt  }
0x54: {  	_ =	shalt  }
0x55: {  	_ =	shalt  }
0x56: {  	_ =	shalt  }
0x57: {  	_ =	shalt  }
0x58: {  	_ =	shalt  }
0x59: {  	_ =	shalt  }
0x5a: {  	_ =	shalt  }
0x5b: {  	_ =	shalt  }
0x5c: {  	_ =	shalt  }
0x5d: {  	_ =	shalt  }
0x5e: {  	_ =	shalt  }
0x5f: {  	_ =	shalt  }
0x60: {  	_ =	shalt  }
0x61: {  	_ =	shalt  }
0x62: {  	_ =	shalt  }
0x63: {  	_ =	shalt  }
0x64: {  	_ =	shalt  }
0x65: {  	_ =	shalt  }
0x66: {  	_ =	shalt  }
0x67: {  	_ =	shalt  }
0x68: {  	_ =	shalt  }
0x69: {  	_ =	shalt  }
0x6a: {  	_ =	shalt  }
0x6b: {  	_ =	shalt  }
0x6c: {  	_ =	shalt  }
0x6d: {  	_ =	shalt  }
0x6e: {  	_ =	shalt  }
0x6f: {  	_ =	shalt  }
0x70: {  	_ =	shalt  }
0x71: {  	_ =	shalt  }
0x72: {  	_ =	shalt  }
0x73: {  	_ =	shalt  }
0x74: {  	_ =	shalt  }
0x75: {  	_ =	shalt  }
0x76: {  	_ =	shalt  }
0x77: {  	_ =	shalt  }
0x78: {  	_ =	shalt  }
0x79: {  	_ =	shalt  }
0x7a: {  	_ =	shalt  }
0x7b: {  	_ =	shalt  }
0x7c: {  	_ =	shalt  }
0x7d: {  	_ =	shalt  }
0x7e: {  	_ =	shalt  }
0x7f: {  	_ =	shalt  }
0x80: {  	_ =	shalt  }
0x81: {  	_ =	shalt  }
0x82: {  	_ =	shalt  }
0x83: {  	_ =	shalt  }
0x84: {  	_ =	shalt  }
0x85: {  	_ =	shalt  }
0x86: {  	_ =	shalt  }
0x87: {  	_ =	shalt  }
.Lfunc_end0:
.L_simem_size_0:
called_computation_lowered:
.L_overlay_start_0:
0x88: {  	s2 =	sld [smem:$0x3FD9]  }
0x89: {  	s3 =	sld [smem:$0x3FFE];
	_ =	sdelay $0x1  }
0x8a: {  	s1 =	srdreg.scid  }
0x8b: {  	s0 =	sand.u32 $0x1, s1  }
0x8c: {  	s16 =	sshll.u32 s0, $0xA;
	s2 =	sadd.s32 s3, s2  }
0x8d: {  	s2 =	sadd.s32 s2, s16  }
0x8e: {  	[smem:$0x3FBF] =	sst s2  }
0x8f: {  	_ = 	snop  }
0x90: {  	(tm) =	ssettm $0x1  }
0x91: {  	s17 =	sld [smem:$0x3FFB];
	_ =	sdelay $0x3  }
0x92: {  	_ =	strace s17  }
0x93: {  	s2 =	sld [smem:$0x3FFC];
	_ =	sdelay $0x3  }
0x94: {  	_ =	strace s2  }
0x95: {  	s2 =	sld [smem:$0x3FFD];
	_ =	sdelay $0x3  }
0x96: {  	_ =	strace s2  }
0x97: {  	_ =	strace $0x8FFFFFFF  }
0x98: {  	s18 =	sld [smem:$0x3FDB];
	_ =	sdelay $0x1  }
0x99: {  	s19 =	simm.s32 $_scs_section_size  }
0x9a: {  	s4 =	simm.s32 $_size__tile_overlayer_lowered;
	s5 =	simm.s32 $_tile_overlayer_lowered  }
0x9b: {  	s22 =	simm.s32 $0x1BFF;
	s21 =	sshll.u32 s5, $0x1;
	s2 =	sadd.s32 s19, s18  }
0x9c: {  	s6 =	simm.s32 $0x0;
	s20 =	sshll.u32 s4, $0x1;
	s4 =	sadd.s32 s21, s2  }
0x9d: {  	[timem:s6], [sflag:s22] =	dma.local [hbm:s4], s20  }
0x9e: {  	_ =	swait.ge [sflag:s22], s20  }
0x9f: {  	s3 =	ssub.s32 $0x0, s20;
	[sflag:s22] =	ssyncset.done $0x0  }
0xa0: {  	[sflag:s22] =	ssyncadd.s32 s3;
	_ =	sdelay $0x1  }
0xa1: {  	s23 =	simm.s32 $0x1B8B  }
0xa2: {  	_ =	swait.ge [sflag:s23], $0x1  }
0xa3: {  	[sflag:s23] =	ssyncset.done $0x0  }
0xa4: {  	s25 =	simm.s32 $0x1B8E;
	s24 =	sld [smem:$0x3FFE];
	[sflag:s23] =	ssyncadd.s32 $0xFFFFFFFF  }
0xa5: {  	s26 =	simm.s32 $execute0_lowered;
	[smem:$0x3FD2] =	sst s25  }
0xa6: {  	s4 =	sshll.u32 s26, $0x1;
	_ =	strace $0x80000046;
	[dreg:$0x1] =	wrdreg $0xFFFFFFFF  }
0xa7: {  	s28 =	simm.s32 $_size_execute0_lowered;
	s2 =	sadd.s32 s2, s4;
	[dreg:$0x0] =	wrdreg $0x0  }
0xa8: {  	s4 =	sshll.u32 s28, $0x1;
	[dreg:$0x2] =	wrdreg s2  }
0xa9: {  	[dreg:$0x3] =	wrdreg s4  }
0xaa: {  	[dreg:$0x4] =	wrdreg $0xC0  }
0xab: {  	_ =	task [dreg:s6], $0x5FFFF  }
0xac: {  	[dreg:$0x1] =	wrdreg $0xFFFFFFFF  }
0xad: {  	[dreg:$0x0] =	wrdreg $0x60  }
0xae: {  	[dreg:$0x2] =	wrdreg s24  }
0xaf: {  	[dreg:$0x3] =	wrdreg $0x48800  }
0xb0: {  	[dreg:$0x4] =	wrdreg $0x9  }
0xb1: {  	_ =	task.clear_ibuf [dreg:s6], $0x5FFFF;
	_ =	strace $0x90000046  }
0xb2: {  	s29 =	simm.s32 $0x9;
	_ =	strace $0x80000048  }
0xb3: {  	_ =	swait.ge [sflag:s29], $0x1  }
0xb4: {  	[sflag:s29] =	ssyncadd.s32 $0xFFFFFFFF  }
0xb5: {  	_ =	strace $0x90000048  }
0xb6: {  	_ =	sfence  }
0xb7: {  	s30 =	sld [smem:$0x0];
	_ =	sdelay $0x2  }
0xb8: {  	s31 =	sshll.u32 s1, $0xD;
	s1 =	sshrl.u32 s1, $0x2  }
0xb9: {  	s3 =	sand.u32 $0x4000, s31;
	s1 =	sadd.s32 s1, s30  }
0xba: {  	s0 =	sor.u32 s3, s0;
	s1 =	sshll.u32 s1, $0x11  }
0xbb: {  	s0 =	sor.u32 s1, s0  }
0xbc: {  	s0 =	sadd.s32 $0x8F2B, s0  }
0xbd: {  	[sflag:s0] =	ssyncadd.remote.s32 $0x1  }
0xbe: {  	_ =	sfence.sel $0xFFFF  }
0xbf: {  	[dreg:$0x0] =	wrdreg $0xFFFFFFFF;
	(pc) =	sbr.abs _section_cstart, $3  }
0xc0: {  	[dreg:$0x1] =	wrdreg $0xFFFFFFFF  }
0xc1: {  	_ =	task.clear_ibuf [dreg:s6], $0x2FFFF;
	_ =	strace $0x9FFFFFFF  }
0xc2: {  	(tm) =	ssettm $0x7FFFFFFF  }
0xc3: {  	_ =	shalt  }
tec
execute0_lowered:
.L_overlay_start_1:
0x0: {  	(tag) =	ssettag $0x1  }
0x1: {  	s1 =	srdreg.scid  }
0x2: {  	s0 =	stileid.u32;
	s4 =	rddreg [dreg:$0x0]  }
0x3: {  	s2 =	rddreg [dreg:$0x1];
	s3 =	simm.s32 $0x0;
	s11 =	simm.s32 $0x50  }
0x4: {  	s12 =	simm.s32 $0x4000;
	s13 =	simm.s32 $0x1;
	s14 =	simm.s32 $0x2  }
0x5: {  	s5 =	sand.u32 $0x1, s1;
	s6 =	smul.u32 $0x7D0, s0;
	s1 =	rddreg [dreg:$0x2]  }
0x6: {  	s15 =	simm.s32 $0x0;
	[smem:$0x7FF] =	sst s3;
	s10 =	smul.u32 $0x1F40, s0  }
0x7: {  	s9 =	sshll.u32 s0, $0xC;
	p0 =	sgt.u32 s0, $0x4;
	s7 =	smul.u32 $0x2710, s5  }
0x8: {  	s8 =	sshll.u32 s5, $0xB;
	_ =	strace $0x80000047;
	s5 =	ssub.s32 $0x2, s5  }
0x9: {  	s8 =	sadd.s32 s8, s4;
	s29 =	sshrl.u32 s5, $0x1;
	s31 =	sshrl.u32 s10, $0x2  }
0xa: {  	s10 =	simm.s32 $0x4080;
	s7 =	sadd.s32 s6, s7;
	s8 =	sadd.s32 s9, s8  }
0xb: {  	s30 =	ssub.s32 s5, s29;
	s5 =	sadd.s32 s31, s2;
	s7 =	sshrl.u32 s7, $0x3  }
0xc: {  	s6 =	sadd.s32 s6, s2;
	s9 =	simm.s32 $0x3;
	s7 =	sadd.s32 s7, s4  }
0xd: {  	v0 =	vimm.f32 $1.000000000e+00;
	v1 =	vimm.f32 $0.0e+00;
	s4 =	sadd.s32 $0xC200, s8;
	s8 =	smax.u32 s30, $0x1;
	s7 =	sadd.s32 $0x1C200, s7  }
.LBB2_1:
0xe: {  	[tilespmem:s3], [sflag:$0x3] =	stream.linear.gather [hbm4b:s4+s3], $0x3E80, $0x38;
	[tilespmem:$0x4AF8] =	vst v63  }
0xf: {  	_ =	swait.ge [sflag:s9], $0x3E80  }
0x10: {  	[sflag:s9] =	ssyncset.done $0x0  }
0x11: {  	[sflag:s9] =	ssyncadd.s32 $0xFFFFC180  }
.Ltmp0:
0x12: {  	[tilespmem:$0x4000] =	vst v0;
	(pc) =	sbr.rel @p0 .LBB2_5-.Ltmp0, $4  }
0x13: {  	[tilespmem:$0x4010] =	vst v0  }
0x14: {  	[tilespmem:$0x4020] =	vst v0  }
0x15: {  	[tilespmem:$0x4030] =	vst v0  }
0x16: {  	[tilespmem:$0x4040] =	vst v0  }
0x17: {  	s16 =	simm.s32 $0x40;
	s17 =	simm.s32 $0x0  }
.LBB2_3:
0x18: {  	p1 =	sne.s32 s16, $0x1F00;
	[tilespmem:s17+$0x4080] =	vst v1;
	s17 =	smov.u32 s16;
	s16 =	sadd.s32 $0x40, s16  }
.Ltmp1:
0x19: {  	(pc) =	sbr.rel @p1 .LBB2_3-.Ltmp1, $2  }
0x1a: {  	_ =	sdelay $0x2  }
0x1b: {  	s17 =	sshra.s32 s17, $0x2  }
0x1c: {  	[tilespmem:s17+$0x4080] =	vst v1  }
0x1d: {  	[spmem:s5] =	stream.linear.scatter [tilespmem:s10], [sflag:$0x3], $0x7D0, $0x38;
	[tilespmem:$0x4AF8] =	vst v63  }
0x1e: {  	_ =	swait.ge [sflag:s9], $0x7D0  }
0x1f: {  	[sflag:s9] =	ssyncset.done $0x0  }
0x20: {  	[sflag:s9] =	ssyncadd.s32 $0xFFFFF830  }
.LBB2_5:
0x21: {  	[bflag:$0x0] =	sbarrier.arrive $0xFFFF  }
0x22: {  	[spmem:s2] =	stream.indirect.scatter.add.f32 [tilespmem:s12], [sflag:$0x1], $0x1, s3, s11, $0xb8;
	[tilespmem:$0x4AF8] =	vst v63  }
0x23: {  	s16 =	simm.s32 $0x80  }
0x24: {  	[spmem:s2] =	stream.indirect.scatter.add.f32 [tilespmem:s12], [sflag:$0x2], $0x1, s16, s11, $0xb8;
	[tilespmem:$0x4AF8] =	vst v63  }
0x25: {  	_ =	swait.ge [sflag:s13], $0x50  }
0x26: {  	[sflag:s13] =	ssyncset.done $0x0  }
0x27: {  	s31 =	simm.s32 $0x100;
	[sflag:s13] =	ssyncadd.s32 $0xFFFFFFB0  }
0x28: {  	[spmem:s2] =	stream.indirect.scatter.add.f32 [tilespmem:s12], [sflag:$0x1], $0x1, s31, s11, $0xb8;
	[tilespmem:$0x4AF8] =	vst v63  }
0x29: {  	_ =	swait.ge [sflag:s14], $0x50  }
0x2a: {  	s17 =	simm.s32 $0xFFFF1000;
	s16 =	simm.s32 $0xFFFFC300;
	[sflag:s14] =	ssyncset.done $0x0  }
.LBB2_6:
0x2b: {  	s18 =	sadd.s32 $0x3E80, s16  }
0x2c: {  	[sflag:s14] =	ssyncadd.s32 $0xFFFFFFB0;
	s19 =	smov.u32 s17;
	s20 =	sadd.s32 $0x400, s17  }
0x2d: {  	[spmem:s2] =	stream.indirect.scatter.add.f32 [tilespmem:s12], [sflag:$0x2], $0x1, s18, s11, $0xb8;
	[tilespmem:$0x4AF8] =	vst v63  }
0x2e: {  	p1 =	sne.s32 s17, $0xFFFFFC00;
	_ =	swait.ge [sflag:s13], $0x50  }
.Ltmp2:
0x2f: {  	[sflag:s13] =	ssyncset.done $0x0;
	(pc) =	sbr.rel @p1 .LBB2_6-.Ltmp2, $4  }
0x30: {  	s16 =	sadd.s32 $0x3F00, s16;
	[sflag:s13] =	ssyncadd.s32 $0xFFFFFFB0  }
0x31: {  	[spmem:s2] =	stream.indirect.scatter.add.f32 [tilespmem:s12], [sflag:$0x1], $0x1, s16, s11, $0xb8;
	[tilespmem:$0x4AF8] =	vst v63  }
0x32: {  	_ =	swait.ge [sflag:s14], $0x50  }
0x33: {  	s17 =	smov.u32 s20;
	s16 =	sshra.s32 s19, $0x2;
	[sflag:s14] =	ssyncset.done $0x0  }
0x34: {  	s17 =	sadd.s32 $0x3E80, s16;
	[sflag:s14] =	ssyncadd.s32 $0xFFFFFFB0  }
0x35: {  	[spmem:s2] =	stream.indirect.scatter.add.f32 [tilespmem:s12], [sflag:$0x2], $0x1, s17, s11, $0xb8;
	[tilespmem:$0x4AF8] =	vst v63  }
0x36: {  	_ =	swait.ge [sflag:s13], $0x50  }
0x37: {  	[sflag:s13] =	ssyncset.done $0x0  }
0x38: {  	s31 =	sadd.s32 $0x3F00, s16;
	[sflag:s13] =	ssyncadd.s32 $0xFFFFFFB0  }
0x39: {  	[spmem:s2] =	stream.indirect.scatter.add.f32 [tilespmem:s12], [sflag:$0x1], $0x1, s31, s11, $0xb8;
	[tilespmem:$0x4AF8] =	vst v63  }
0x3a: {  	_ =	swait.ge [sflag:s14], $0x50  }
0x3b: {  	[sflag:s14] =	ssyncset.done $0x0  }
0x3c: {  	[sflag:s14] =	ssyncadd.s32 $0xFFFFFFB0  }
0x3d: {  	_ =	swait.ge [sflag:s13], $0x50  }
0x3e: {  	[sflag:s13] =	ssyncset.done $0x0  }
0x3f: {  	[sflag:s13] =	ssyncadd.s32 $0xFFFFFFB0  }
0x40: {  	s16 =	simm.s32 @!p0 $0x4080;
	s17 =	simm.s32 @!p0 $0x3;
	[bflag:$0x0] =	sbarrier.arrive $0xFFFF  }
0x41: {  	[tilespmem:s16], [sflag:$0x3] =	stream.linear.gather @!p0 [spmem:s6], $0x7D0, $0x38;
	[tilespmem:$0x4AF8] =	vst v63  }
0x42: {  	s15 =	sadd.s32 $0x1, s15;
	_ =	swait.ge @!p0 [sflag:s17], $0x7D0  }
0x43: {  	p1 =	sne.s32 s15, s8;
	[sflag:s17] =	ssyncset.done @!p0 $0x0  }
.Ltmp3:
0x44: {  	s18 =	simm.s32 @!p0 $0x0;
	[sflag:s17] =	ssyncadd.s32 @!p0 $0xFFFFF830;
	(pc) =	sbr.rel @p1 .LBB2_1-.Ltmp3, $4  }
0x45: {  	[hbm4b:s7+s18] =	stream.linear.scatter @!p0 [tilespmem:s16], [sflag:$0x3], $0x7D0, $0x38;
	[tilespmem:$0x4AF8] =	vst v63  }
0x46: {  	_ =	swait.ge @!p0 [sflag:s17], $0x7D0  }
0x47: {  	[sflag:s17] =	ssyncset.done @!p0 $0x0  }
0x48: {  	[sflag:s17] =	ssyncadd.s32 @!p0 $0xFFFFF830  }
0x49: {  	_ =	sfence.sel $0x180000  }
0x4a: {  	[bflag:$0x0] =	sbarrier.arrive $0xFFFF  }
0x4b: {  	p0 =	sne.s32 s0, $0x0;
	_ =	strace $0x90000047  }
0x4c: {  	s0 =	sadd.s32 @!p0 $0x100000, s1;
	[bflag:$0x2] =	sbarrier.arrive $0xFFFF  }
0x4d: {  	[sflag:s0] =	ssyncadd.tile.s32 @!p0 $0x1;
	_ =	shalt  }
.Lfunc_end2:
_tile_overlayer_lowered:
.L_overlay_start_2:
0x4e: {  	(tag) =	ssettag $0x2  }
0x4f: {  	s0 =	rddreg [dreg:$0x0];
	s2 =	stileid.u32  }
0x50: {  	s1 =	rddreg [dreg:$0x1];
	p0 =	sne.s32 s2, $0x0  }
0x51: {  	s3 =	rddreg [dreg:$0x2];
	[bflag:$0x3] =	sbarrier.arrive $0xFFFF;
	s2 =	simm.s32 @!p0 $0x1C03  }
0x52: {  	[timem:s3], [sflag:s2] =	dma.local @!p0 [hbm:s0], s1  }
0x53: {  	s0 =	simm.s32 @!p0 $0x3  }
0x54: {  	_ =	swait.ge @!p0 [sflag:s0], s1  }
0x55: {  	s1 =	ssub.s32 @!p0 $0x0, s1;
	[sflag:s0] =	ssyncset.done @!p0 $0x0  }
0x56: {  	[sflag:s0] =	ssyncadd.s32 @!p0 s1  }
0x57: {  	[bflag:$0x3] =	sbarrier.arrive $0xFFFF  }
0x58: {  	_ =	shalt  }

</sc_bundles>
